<compile_context>
chip_gen: v7x
topology: tpu7x:2x2x1
jax: 0.10.2.dev20260603
libtpu: 0.0.44.dev20260713+nightly
codegen_flags: <defaults>
</compile_context>

<pallas_src>
import functools

import jax
import jax.numpy as jnp
from jax import lax
from jax.experimental import pallas as pl
from jax.experimental.pallas import tpu as pltpu
from jax.experimental.pallas import tpu_sc as plsc

N = 10000
E = 320000
D = 128
NUM_ATOM = 119
NUM_BOND = 8
NUM_DIST = 64

NC = 2
NS = 16
L = 16
NW = NC * NS

EPW = E // NW
C0_EDGES = 7040
C1_EDGES = 2 * EPW - C0_EDGES
DEG_ROWS = E // 128
_ROWS_PER_TILE = 160
DST2D_ROWS = _ROWS_PER_TILE * NS


@functools.cache
def _sc_mesh_kernel():
  mesh = plsc.VectorSubcoreMesh(core_axis_name="c", subcore_axis_name="s",
                                num_cores=NC, num_subcores=NS)

  @functools.partial(
      pl.kernel,
      out_type=(
          jax.ShapeDtypeStruct((N,), jnp.float32),
          jax.ShapeDtypeStruct((E,), jnp.float32),
          jax.ShapeDtypeStruct((E,), jnp.float32),
          jax.ShapeDtypeStruct((E,), jnp.float32),
      ),
      mesh=mesh,
      compiler_params=pltpu.CompilerParams(needs_layout_passes=False),
      scratch_types=[
          pltpu.VMEM((N,), jnp.float32),
          pltpu.VMEM((N,), jnp.float32),
          pltpu.VMEM((N,), jnp.float32),
          pltpu.VMEM((C1_EDGES,), jnp.int32),
          pltpu.VMEM((C1_EDGES,), jnp.int32),
          pltpu.VMEM((C1_EDGES,), jnp.float32),
          pltpu.VMEM((C1_EDGES,), jnp.float32),
          pltpu.VMEM((C1_EDGES,), jnp.float32),
          pltpu.VMEM((_ROWS_PER_TILE, 128), jnp.int32),
          pltpu.VMEM((128,), jnp.float32),
          pltpu.VMEM((2000,), jnp.float32),
          pltpu.VMEM_SHARED((N,), jnp.float32),
          pltpu.SemaphoreType.DMA,
          pltpu.SemaphoreType.DMA,
      ],
  )
  def k(x_hbm, y_hbm, z_hbm, src_hbm, dst_hbm, dst2d_hbm,
        deg_out, dx_out, dy_out, dz_out,
        xv, yv, zv, sv, dv, dxv, dyv, dzv, degidx, onesv, zerov, degsp,
        sem_in, sem_idx):
    c = lax.axis_index("c")
    s = lax.axis_index("s")

    pltpu.async_copy(x_hbm, xv, sem_in)
    pltpu.async_copy(y_hbm, yv, sem_in)
    pltpu.async_copy(z_hbm, zv, sem_in)

    def stage_edges(base, cnt):
      pltpu.async_copy(src_hbm.at[pl.ds(base, cnt)], sv.at[pl.ds(0, cnt)],
                       sem_in)
      pltpu.async_copy(dst_hbm.at[pl.ds(base, cnt)], dv.at[pl.ds(0, cnt)],
                       sem_in)

    @pl.when(c == 0)
    def _():
      stage_edges(s * C0_EDGES, C0_EDGES)

    @pl.when(c != 0)
    def _():
      stage_edges(NS * C0_EDGES + s * C1_EDGES, C1_EDGES)

    nbase = s * _ROWS_PER_TILE
    nrows = jnp.minimum(_ROWS_PER_TILE, DEG_ROWS - nbase)

    @pl.when(c == 0)
    def _():
      pltpu.async_copy(dst2d_hbm.at[pl.ds(nbase, _ROWS_PER_TILE)], degidx,
                       sem_idx)

    zf = jnp.zeros((L,), jnp.float32)

    def zstep(i, _):
      zerov[pl.ds(i * L, L)] = zf
      return 0
    lax.fori_loop(0, 2000 // L, zstep, 0)
    onesv[pl.ds(0, L)] = jnp.ones((L,), jnp.float32)
    for j in range(1, 128 // L):
      onesv[pl.ds(j * L, L)] = jnp.ones((L,), jnp.float32)

    @pl.when(s < 5)
    def _():
      pltpu.sync_copy(zerov, degsp.at[pl.ds(s * 2000, 2000)])

    plsc.subcore_barrier()

    @pl.when(c == 0)
    def _():
      pltpu.make_async_copy(
          dst2d_hbm.at[pl.ds(nbase, _ROWS_PER_TILE)], degidx, sem_idx).wait()

      def dstep(r, _):
        pltpu.sync_copy(onesv, degsp.at[degidx.at[r]], add=True)
        return 0
      lax.fori_loop(0, nrows, dstep, 0)

    pltpu.make_async_copy(x_hbm, xv, sem_in).wait()
    pltpu.make_async_copy(y_hbm, yv, sem_in).wait()
    pltpu.make_async_copy(z_hbm, zv, sem_in).wait()

    def dir_phase(base, cnt):
      pltpu.make_async_copy(src_hbm.at[pl.ds(base, cnt)],
                            sv.at[pl.ds(0, cnt)], sem_in).wait()
      pltpu.make_async_copy(dst_hbm.at[pl.ds(base, cnt)],
                            dv.at[pl.ds(0, cnt)], sem_in).wait()

      @plsc.parallel_loop(0, cnt // L, unroll=8)
      def dir_step(i):
        off = i * L
        sidx = sv[pl.ds(off, L)]
        didx = dv[pl.ds(off, L)]
        xs = plsc.load_gather(xv, [sidx])
        ys = plsc.load_gather(yv, [sidx])
        zs = plsc.load_gather(zv, [sidx])
        xd = plsc.load_gather(xv, [didx])
        yd = plsc.load_gather(yv, [didx])
        zd = plsc.load_gather(zv, [didx])
        dx = xd - xs
        dy = yd - ys
        dz = zd - zs
        n2 = dx * dx + dy * dy + dz * dz
        bits = plsc.bitcast(n2, jnp.int32)
        yf = plsc.bitcast(jnp.int32(0x5F3759DF) - (bits >> 1), jnp.float32)
        yf = yf * (1.5 - 0.5 * n2 * yf * yf)
        yf = yf * (1.5 - 0.5 * n2 * yf * yf)
        yf = yf * (1.5 - 0.5 * n2 * yf * yf)
        norm = n2 * yf
        inv = 1.0 / (norm + 1e-8)
        dxv[pl.ds(off, L)] = dx * inv
        dyv[pl.ds(off, L)] = dy * inv
        dzv[pl.ds(off, L)] = dz * inv

      for buf, out in ((dxv, dx_out), (dyv, dy_out), (dzv, dz_out)):
        pltpu.async_copy(buf.at[pl.ds(0, cnt)], out.at[pl.ds(base, cnt)],
                         sem_in)
      for buf, out in ((dxv, dx_out), (dyv, dy_out), (dzv, dz_out)):
        pltpu.make_async_copy(buf.at[pl.ds(0, cnt)], out.at[pl.ds(base, cnt)],
                              sem_in).wait()

    @pl.when(c == 0)
    def _():
      dir_phase(s * C0_EDGES, C0_EDGES)

    @pl.when(c != 0)
    def _():
      dir_phase(NS * C0_EDGES + s * C1_EDGES, C1_EDGES)

    plsc.subcore_barrier()

    @pl.when((c == 0) & (s < 10))
    def _():
      stage = zerov.at[pl.ds(0, 1000)]
      pltpu.sync_copy(degsp.at[pl.ds(s * 1000, 1000)], stage)
      pltpu.sync_copy(stage, deg_out.at[pl.ds(s * 1000, 1000)])

  return k


def _tc_edges(dist_bins, bond_types, bd_table, block_e=8192):
  grid = (pl.cdiv(E, block_e),)

  def body(dis_ref, bond_ref, bd_ref, dis_out, bond_out):
    dis = dis_ref[...].reshape(1, block_e)
    bond = bond_ref[...].reshape(1, block_e)
    rows = lax.broadcasted_iota(jnp.int32, (128, block_e), 0)
    oht = jnp.where((rows == dis) | (rows == bond + NUM_DIST),
                    jnp.float32(1.0), jnp.float32(0.0))
    r = lax.dot_general(oht, bd_ref[...],
                        dimension_numbers=(((0,), (0,)), ((), ())),
                        preferred_element_type=jnp.float32)
    dis_out[...] = r[:, :D]
    bond_out[...] = r[:, D:]

  return pl.pallas_call(
      body,
      grid=grid,
      in_specs=[
          pl.BlockSpec((block_e,), lambda i: (i,)),
          pl.BlockSpec((block_e,), lambda i: (i,)),
          pl.BlockSpec((128, 2 * D), lambda i: (0, 0)),
      ],
      out_specs=[
          pl.BlockSpec((block_e, D), lambda i: (i, 0)),
          pl.BlockSpec((block_e, D), lambda i: (i, 0)),
      ],
      out_shape=[
          jax.ShapeDtypeStruct((E, D), jnp.float32),
          jax.ShapeDtypeStruct((E, D), jnp.float32),
      ],
  )(dist_bins, bond_types, bd_table)


def _tc_nodes(atom_types, atom_pad, block_n=2048):
  grid = (pl.cdiv(N, block_n),)

  def body(idx_ref, tab_ref, out_ref):
    idx = idx_ref[...].reshape(1, block_n)
    rows = lax.broadcasted_iota(jnp.int32, (128, block_n), 0)
    oht = jnp.where(rows == idx, jnp.float32(1.0), jnp.float32(0.0))
    out_ref[...] = lax.dot_general(
        oht, tab_ref[...],
        dimension_numbers=(((0,), (0,)), ((), ())),
        preferred_element_type=jnp.float32)

  return pl.pallas_call(
      body,
      grid=grid,
      in_specs=[
          pl.BlockSpec((block_n,), lambda i: (i,)),
          pl.BlockSpec((128, D), lambda i: (0, 0)),
      ],
      out_specs=pl.BlockSpec((block_n, D), lambda i: (i, 0)),
      out_shape=jax.ShapeDtypeStruct((N, D), jnp.float32),
  )(atom_types, atom_pad)


def kernel(atom_types, edge_index, bond_types, dist_bins, pos,
           atom_table, bond_table, dist_table):
  edge_index = edge_index.astype(jnp.int32)
  atom_types = atom_types.astype(jnp.int32)
  bond_types = bond_types.astype(jnp.int32)
  dist_bins = dist_bins.astype(jnp.int32)

  pos_x = pos[:, 0]
  pos_y = pos[:, 1]
  pos_z = pos[:, 2]
  src = edge_index[0]
  dst = edge_index[1]
  dst_pad = jnp.concatenate(
      [edge_index[1], jnp.zeros((DST2D_ROWS * 128 - E,), jnp.int32)])
  dst2d = dst_pad.reshape(DST2D_ROWS, 128)

  bd = jnp.zeros((128, 2 * D), jnp.float32)
  bd = bd.at[:NUM_DIST, :D].set(dist_table)
  bd = bd.at[NUM_DIST:NUM_DIST + NUM_BOND, D:].set(bond_table)
  atom_pad = jnp.zeros((128, D), jnp.float32).at[:NUM_ATOM].set(atom_table)

  degree, dir_x, dir_y, dir_z = _sc_mesh_kernel()(
      pos_x, pos_y, pos_z, src, dst, dst2d)
  edges_direction = jnp.stack([dir_x, dir_y, dir_z], axis=1)
  edge_feat_dis, edge_feat_bond = _tc_edges(dist_bins, bond_types, bd)
  node_feat = _tc_nodes(atom_types, atom_pad)

  return (node_feat, edge_feat_dis, edge_feat_bond, degree, edges_direction)

# --- scband reference (transcript-rebuilt; emitter-appended) ---
"""Pipeline reference for scband-mol-embedding-layer-72782515798983 (READ-ONLY COPY).

The authoritative reference and input builder live on the scoring server;
editing this copy changes nothing except your own understanding.
"""

import jax, jax.numpy as jnp
import numpy as np

N = 10000
E = 320000
D = 128
NUM_ATOM = 119
NUM_BOND = 8
NUM_DIST = 64


def setup_inputs(seed: int = 0) -> dict:
    key = jax.random.key(seed)
    ks = jax.random.split(key, 8)
    atom_types = jax.random.randint(ks[0], (N,), 0, NUM_ATOM)
    edge_index = jax.random.randint(ks[1], (2, E), 0, N)
    bond_types = jax.random.randint(ks[2], (E,), 0, NUM_BOND)
    dist_bins = jax.random.randint(ks[3], (E,), 0, NUM_DIST)
    pos = jax.random.normal(ks[4], (N, 3), dtype=jnp.float32)
    atom_table = jax.random.normal(ks[5], (NUM_ATOM, D), dtype=jnp.float32) * 0.02
    bond_table = jax.random.normal(ks[6], (NUM_BOND, D), dtype=jnp.float32) * 0.02
    dist_table = jax.random.normal(ks[7], (NUM_DIST, D), dtype=jnp.float32) * 0.02
    return {
        "atom_types": atom_types,
        "edge_index": edge_index,
        "bond_types": bond_types,
        "dist_bins": dist_bins,
        "pos": pos,
        "atom_table": atom_table,
        "bond_table": bond_table,
        "dist_table": dist_table,
    }


def reference(atom_types, edge_index, bond_types, dist_bins, pos, atom_table, bond_table, dist_table):
    # Nodes_Embedding: per-atom embedding lookup
    node_feat = jnp.take(atom_table, atom_types, axis=0)
    # Edges_Embedding: distance-bucket embedding + bond-type embedding
    edge_feat_dis = jnp.take(dist_table, dist_bins, axis=0)
    edge_feat_bond = jnp.take(bond_table, bond_types, axis=0)
    src = edge_index[0]
    dst = edge_index[1]
    # degree_tensor: in-degree of each node via scatter-add
    degree_tensor = jax.ops.segment_sum(jnp.ones((E,), dtype=jnp.float32), dst, num_segments=N)
    # edges_direction: normalized src->dst direction vectors (gather on pos)
    vec = jnp.take(pos, dst, axis=0) - jnp.take(pos, src, axis=0)
    norm = jnp.sqrt(jnp.sum(vec * vec, axis=-1, keepdims=True)) + 1e-8
    edges_direction = vec / norm
    return (node_feat, edge_feat_dis, edge_feat_bond, degree_tensor, edges_direction)

if __name__ == "__main__":
    import jax
    _d = setup_inputs()
    print(jax.jit(kernel)(*tuple(_d.values())))

</pallas_src>

<mosaic_0001>
#map = affine_map<(d0, d1) -> (0)>
#map1 = affine_map<(d0, d1) -> (0, 0)>
module attributes {stable_mosaic.version = 14 : i64} {
  func.func @k(%arg0: i32, %arg1: i32, %arg2: memref<10000xf32, #tpu.memory_space<hbm>>, %arg3: memref<10000xf32, #tpu.memory_space<hbm>>, %arg4: memref<10000xf32, #tpu.memory_space<hbm>>, %arg5: memref<320000xi32, #tpu.memory_space<hbm>>, %arg6: memref<320000xi32, #tpu.memory_space<hbm>>, %arg7: memref<2560x128xi32, #tpu.memory_space<hbm>>, %arg8: memref<10000xf32, #tpu.memory_space<hbm>>, %arg9: memref<320000xf32, #tpu.memory_space<hbm>>, %arg10: memref<320000xf32, #tpu.memory_space<hbm>>, %arg11: memref<320000xf32, #tpu.memory_space<hbm>>, %arg12: memref<10000xf32, #tpu.memory_space<vmem>>, %arg13: memref<10000xf32, #tpu.memory_space<vmem>>, %arg14: memref<10000xf32, #tpu.memory_space<vmem>>, %arg15: memref<12960xi32, #tpu.memory_space<vmem>>, %arg16: memref<12960xi32, #tpu.memory_space<vmem>>, %arg17: memref<12960xf32, #tpu.memory_space<vmem>>, %arg18: memref<12960xf32, #tpu.memory_space<vmem>>, %arg19: memref<12960xf32, #tpu.memory_space<vmem>>, %arg20: memref<160x128xi32, #tpu.memory_space<vmem>>, %arg21: memref<128xf32, #tpu.memory_space<vmem>>, %arg22: memref<2000xf32, #tpu.memory_space<vmem>>, %arg23: memref<10000xf32, #tpu.memory_space<vmem_shared>>, %arg24: memref<!tpu.dma_semaphore, #tpu.memory_space<semaphore_mem>>, %arg25: memref<!tpu.dma_semaphore, #tpu.memory_space<semaphore_mem>>) attributes {dimension_semantics = [#tpu.dimension_semantics<core_parallel>, #tpu.dimension_semantics<subcore_parallel>], iteration_bounds = array<i64: 2, 16>, scalar_prefetch = 0 : i64, scratch_operands = 14 : i64, tpu.core_type = #tpu.core_type<sc_vector_subcore>, window_params = [{transform_indices = #map}, {transform_indices = #map}, {transform_indices = #map}, {transform_indices = #map}, {transform_indices = #map}, {transform_indices = #map1}, {transform_indices = #map}, {transform_indices = #map}, {transform_indices = #map}, {transform_indices = #map}]} {
    tpu.enqueue_dma source(%arg2 : memref<10000xf32, #tpu.memory_space<hbm>>) target(%arg12 : memref<10000xf32, #tpu.memory_space<vmem>>) target_semaphore(%arg24 : memref<!tpu.dma_semaphore, #tpu.memory_space<semaphore_mem>>)
    tpu.enqueue_dma source(%arg3 : memref<10000xf32, #tpu.memory_space<hbm>>) target(%arg13 : memref<10000xf32, #tpu.memory_space<vmem>>) target_semaphore(%arg24 : memref<!tpu.dma_semaphore, #tpu.memory_space<semaphore_mem>>)
    tpu.enqueue_dma source(%arg4 : memref<10000xf32, #tpu.memory_space<hbm>>) target(%arg14 : memref<10000xf32, #tpu.memory_space<vmem>>) target_semaphore(%arg24 : memref<!tpu.dma_semaphore, #tpu.memory_space<semaphore_mem>>)
    %eq3A = arith.constant 0 : i32
    %eq3A_0 = arith.cmpi eq, %arg0, %eq3A : i32
    %convert_element_type3A = arith.extui %eq3A_0 : i1 to i32
    %cond3A = arith.constant 0 : i32
    %cond3A_1 = arith.cmpi ne, %convert_element_type3A, %cond3A : i32
    scf.if %cond3A_1 {
      %mul3A_79 = arith.constant 7040 : i32
      %mul3A_80 = arith.muli %arg1, %mul3A_79 : i32
      %dma_start3A = arith.constant 0 : i32
      %dma_start3A_81 = tpu.memref_slice %arg15[%dma_start3A] : memref<12960xi32, #tpu.memory_space<vmem>> -> memref<7040xi32, #tpu.memory_space<vmem>>
      %dma_start3A_82 = tpu.memref_slice %arg5[%mul3A_80] : memref<320000xi32, #tpu.memory_space<hbm>> -> memref<7040xi32, #tpu.memory_space<hbm>>
      %dma_start3A_83 = arith.constant 0 : i32
      %dma_start3A_84 = tpu.memref_slice %arg15[%dma_start3A_83] : memref<12960xi32, #tpu.memory_space<vmem>> -> memref<7040xi32, #tpu.memory_space<vmem>>
      %dma_start3A_85 = tpu.memref_slice %arg5[%mul3A_80] : memref<320000xi32, #tpu.memory_space<hbm>> -> memref<7040xi32, #tpu.memory_space<hbm>>
      tpu.enqueue_dma source(%dma_start3A_85 : memref<7040xi32, #tpu.memory_space<hbm>>) target(%dma_start3A_84 : memref<7040xi32, #tpu.memory_space<vmem>>) target_semaphore(%arg24 : memref<!tpu.dma_semaphore, #tpu.memory_space<semaphore_mem>>)
      %dma_start3A_86 = arith.constant 0 : i32
      %dma_start3A_87 = tpu.memref_slice %arg16[%dma_start3A_86] : memref<12960xi32, #tpu.memory_space<vmem>> -> memref<7040xi32, #tpu.memory_space<vmem>>
      %dma_start3A_88 = tpu.memref_slice %arg6[%mul3A_80] : memref<320000xi32, #tpu.memory_space<hbm>> -> memref<7040xi32, #tpu.memory_space<hbm>>
      %dma_start3A_89 = arith.constant 0 : i32
      %dma_start3A_90 = tpu.memref_slice %arg16[%dma_start3A_89] : memref<12960xi32, #tpu.memory_space<vmem>> -> memref<7040xi32, #tpu.memory_space<vmem>>
      %dma_start3A_91 = tpu.memref_slice %arg6[%mul3A_80] : memref<320000xi32, #tpu.memory_space<hbm>> -> memref<7040xi32, #tpu.memory_space<hbm>>
      tpu.enqueue_dma source(%dma_start3A_91 : memref<7040xi32, #tpu.memory_space<hbm>>) target(%dma_start3A_90 : memref<7040xi32, #tpu.memory_space<vmem>>) target_semaphore(%arg24 : memref<!tpu.dma_semaphore, #tpu.memory_space<semaphore_mem>>)
    } else {
    }
    %ne3A = arith.constant 0 : i32
    %ne3A_2 = arith.cmpi ne, %arg0, %ne3A : i32
    %convert_element_type3A_3 = arith.extui %ne3A_2 : i1 to i32
    %cond3A_4 = arith.constant 0 : i32
    %cond3A_5 = arith.cmpi ne, %convert_element_type3A_3, %cond3A_4 : i32
    scf.if %cond3A_5 {
      %mul3A_79 = arith.constant 12960 : i32
      %mul3A_80 = arith.muli %arg1, %mul3A_79 : i32
      %add3A = arith.constant 112640 : i32
      %add3A_81 = arith.addi %add3A, %mul3A_80 : i32
      %dma_start3A = arith.constant 0 : i32
      %dma_start3A_82 = tpu.memref_slice %arg15[%dma_start3A] : memref<12960xi32, #tpu.memory_space<vmem>> -> memref<12960xi32, #tpu.memory_space<vmem>>
      %dma_start3A_83 = tpu.memref_slice %arg5[%add3A_81] : memref<320000xi32, #tpu.memory_space<hbm>> -> memref<12960xi32, #tpu.memory_space<hbm>>
      %dma_start3A_84 = arith.constant 0 : i32
      %dma_start3A_85 = tpu.memref_slice %arg15[%dma_start3A_84] : memref<12960xi32, #tpu.memory_space<vmem>> -> memref<12960xi32, #tpu.memory_space<vmem>>
      %dma_start3A_86 = tpu.memref_slice %arg5[%add3A_81] : memref<320000xi32, #tpu.memory_space<hbm>> -> memref<12960xi32, #tpu.memory_space<hbm>>
      tpu.enqueue_dma source(%dma_start3A_86 : memref<12960xi32, #tpu.memory_space<hbm>>) target(%dma_start3A_85 : memref<12960xi32, #tpu.memory_space<vmem>>) target_semaphore(%arg24 : memref<!tpu.dma_semaphore, #tpu.memory_space<semaphore_mem>>)
      %dma_start3A_87 = arith.constant 0 : i32
      %dma_start3A_88 = tpu.memref_slice %arg16[%dma_start3A_87] : memref<12960xi32, #tpu.memory_space<vmem>> -> memref<12960xi32, #tpu.memory_space<vmem>>
      %dma_start3A_89 = tpu.memref_slice %arg6[%add3A_81] : memref<320000xi32, #tpu.memory_space<hbm>> -> memref<12960xi32, #tpu.memory_space<hbm>>
      %dma_start3A_90 = arith.constant 0 : i32
      %dma_start3A_91 = tpu.memref_slice %arg16[%dma_start3A_90] : memref<12960xi32, #tpu.memory_space<vmem>> -> memref<12960xi32, #tpu.memory_space<vmem>>
      %dma_start3A_92 = tpu.memref_slice %arg6[%add3A_81] : memref<320000xi32, #tpu.memory_space<hbm>> -> memref<12960xi32, #tpu.memory_space<hbm>>
      tpu.enqueue_dma source(%dma_start3A_92 : memref<12960xi32, #tpu.memory_space<hbm>>) target(%dma_start3A_91 : memref<12960xi32, #tpu.memory_space<vmem>>) target_semaphore(%arg24 : memref<!tpu.dma_semaphore, #tpu.memory_space<semaphore_mem>>)
    } else {
    }
    %mul3A = arith.constant 160 : i32
    %mul3A_6 = arith.muli %arg1, %mul3A : i32
    %sub3A = arith.constant 2500 : i32
    %sub3A_7 = arith.subi %sub3A, %mul3A_6 : i32
    %min3A = arith.constant 160 : i32
    %min3A_8 = arith.minsi %min3A, %sub3A_7 : i32
    %eq3A_9 = arith.constant 0 : i32
    %eq3A_10 = arith.cmpi eq, %arg0, %eq3A_9 : i32
    %convert_element_type3A_11 = arith.extui %eq3A_10 : i1 to i32
    %cond3A_12 = arith.constant 0 : i32
    %cond3A_13 = arith.cmpi ne, %convert_element_type3A_11, %cond3A_12 : i32
    scf.if %cond3A_13 {
      %dma_start3A = arith.constant 0 : i32
      %dma_start3A_79 = tpu.memref_slice %arg7[%mul3A_6, %dma_start3A] : memref<2560x128xi32, #tpu.memory_space<hbm>> -> memref<160x128xi32, #tpu.memory_space<hbm>>
      %dma_start3A_80 = arith.constant 0 : i32
      %dma_start3A_81 = tpu.memref_slice %arg7[%mul3A_6, %dma_start3A_80] : memref<2560x128xi32, #tpu.memory_space<hbm>> -> memref<160x128xi32, #tpu.memory_space<hbm>>
      tpu.enqueue_dma source(%dma_start3A_81 : memref<160x128xi32, #tpu.memory_space<hbm>>) target(%arg20 : memref<160x128xi32, #tpu.memory_space<vmem>>) target_semaphore(%arg25 : memref<!tpu.dma_semaphore, #tpu.memory_space<semaphore_mem>>)
    } else {
    }
    %broadcast_in_dim3A = arith.constant 0.000000e+00 : f32
    %broadcast_in_dim3A_14 = vector.broadcast %broadcast_in_dim3A : f32 to vector<16xf32>
    %scan3A = arith.constant 0 : i32
    %scan3A_15 = arith.constant 0 : i32
    %scan3A_16 = arith.constant 125 : i32
    %scan3A_17 = arith.addi %scan3A_15, %scan3A_16 : i32
    %scan3A_18 = arith.constant 1 : i32
    %scan3A_19 = scf.for %scan3A_79 = %scan3A_15 to %scan3A_17 step %scan3A_18 iter_args(%scan3A_80 = %scan3A) -> (i32)  : i32 {
      %mul3A_81 = arith.constant 16 : i32
      %mul3A_82 = arith.muli %scan3A_79, %mul3A_81 : i32
      %swap3A_83 = arith.index_cast %mul3A_82 : i32 to index
      %swap3A_84 = tpu.vector_load %arg22[%swap3A_83] {strides = array<i32>} : memref<2000xf32, #tpu.memory_space<vmem>>, vector<16xf32>,
      tpu.vector_store %arg22[%swap3A_83], %broadcast_in_dim3A_14 {strides = array<i32>} : memref<2000xf32, #tpu.memory_space<vmem>>, vector<16xf32>,
      %scan3A_85 = arith.constant 0 : i32
      scf.yield %scan3A_85 : i32
    }
    %scan3A_20 = arith.constant 125 : i32
    %broadcast_in_dim3A_21 = arith.constant 1.000000e+00 : f32
    %broadcast_in_dim3A_22 = vector.broadcast %broadcast_in_dim3A_21 : f32 to vector<16xf32>
    %swap3A = arith.constant 0 : index
    %swap3A_23 = tpu.vector_load %arg21[%swap3A] {strides = array<i32>} : memref<128xf32, #tpu.memory_space<vmem>>, vector<16xf32>,
    tpu.vector_store %arg21[%swap3A], %broadcast_in_dim3A_22 {strides = array<i32>} : memref<128xf32, #tpu.memory_space<vmem>>, vector<16xf32>,
    %broadcast_in_dim3A_24 = arith.constant 1.000000e+00 : f32
    %broadcast_in_dim3A_25 = vector.broadcast %broadcast_in_dim3A_24 : f32 to vector<16xf32>
    %swap3A_26 = arith.constant 16 : index
    %swap3A_27 = tpu.vector_load %arg21[%swap3A_26] {strides = array<i32>} : memref<128xf32, #tpu.memory_space<vmem>>, vector<16xf32>,
    tpu.vector_store %arg21[%swap3A_26], %broadcast_in_dim3A_25 {strides = array<i32>} : memref<128xf32, #tpu.memory_space<vmem>>, vector<16xf32>,
    %broadcast_in_dim3A_28 = arith.constant 1.000000e+00 : f32
    %broadcast_in_dim3A_29 = vector.broadcast %broadcast_in_dim3A_28 : f32 to vector<16xf32>
    %swap3A_30 = arith.constant 32 : index
    %swap3A_31 = tpu.vector_load %arg21[%swap3A_30] {strides = array<i32>} : memref<128xf32, #tpu.memory_space<vmem>>, vector<16xf32>,
    tpu.vector_store %arg21[%swap3A_30], %broadcast_in_dim3A_29 {strides = array<i32>} : memref<128xf32, #tpu.memory_space<vmem>>, vector<16xf32>,
    %broadcast_in_dim3A_32 = arith.constant 1.000000e+00 : f32
    %broadcast_in_dim3A_33 = vector.broadcast %broadcast_in_dim3A_32 : f32 to vector<16xf32>
    %swap3A_34 = arith.constant 48 : index
    %swap3A_35 = tpu.vector_load %arg21[%swap3A_34] {strides = array<i32>} : memref<128xf32, #tpu.memory_space<vmem>>, vector<16xf32>,
    tpu.vector_store %arg21[%swap3A_34], %broadcast_in_dim3A_33 {strides = array<i32>} : memref<128xf32, #tpu.memory_space<vmem>>, vector<16xf32>,
    %broadcast_in_dim3A_36 = arith.constant 1.000000e+00 : f32
    %broadcast_in_dim3A_37 = vector.broadcast %broadcast_in_dim3A_36 : f32 to vector<16xf32>
    %swap3A_38 = arith.constant 64 : index
    %swap3A_39 = tpu.vector_load %arg21[%swap3A_38] {strides = array<i32>} : memref<128xf32, #tpu.memory_space<vmem>>, vector<16xf32>,
    tpu.vector_store %arg21[%swap3A_38], %broadcast_in_dim3A_37 {strides = array<i32>} : memref<128xf32, #tpu.memory_space<vmem>>, vector<16xf32>,
    %broadcast_in_dim3A_40 = arith.constant 1.000000e+00 : f32
    %broadcast_in_dim3A_41 = vector.broadcast %broadcast_in_dim3A_40 : f32 to vector<16xf32>
    %swap3A_42 = arith.constant 80 : index
    %swap3A_43 = tpu.vector_load %arg21[%swap3A_42] {strides = array<i32>} : memref<128xf32, #tpu.memory_space<vmem>>, vector<16xf32>,
    tpu.vector_store %arg21[%swap3A_42], %broadcast_in_dim3A_41 {strides = array<i32>} : memref<128xf32, #tpu.memory_space<vmem>>, vector<16xf32>,
    %broadcast_in_dim3A_44 = arith.constant 1.000000e+00 : f32
    %broadcast_in_dim3A_45 = vector.broadcast %broadcast_in_dim3A_44 : f32 to vector<16xf32>
    %swap3A_46 = arith.constant 96 : index
    %swap3A_47 = tpu.vector_load %arg21[%swap3A_46] {strides = array<i32>} : memref<128xf32, #tpu.memory_space<vmem>>, vector<16xf32>,
    tpu.vector_store %arg21[%swap3A_46], %broadcast_in_dim3A_45 {strides = array<i32>} : memref<128xf32, #tpu.memory_space<vmem>>, vector<16xf32>,
    %broadcast_in_dim3A_48 = arith.constant 1.000000e+00 : f32
    %broadcast_in_dim3A_49 = vector.broadcast %broadcast_in_dim3A_48 : f32 to vector<16xf32>
    %swap3A_50 = arith.constant 112 : index
    %swap3A_51 = tpu.vector_load %arg21[%swap3A_50] {strides = array<i32>} : memref<128xf32, #tpu.memory_space<vmem>>, vector<16xf32>,
    tpu.vector_store %arg21[%swap3A_50], %broadcast_in_dim3A_49 {strides = array<i32>} : memref<128xf32, #tpu.memory_space<vmem>>, vector<16xf32>,
    %lt3A = arith.constant 5 : i32
    %lt3A_52 = arith.cmpi slt, %arg1, %lt3A : i32
    %convert_element_type3A_53 = arith.extui %lt3A_52 : i1 to i32
    %cond3A_54 = arith.constant 0 : i32
    %cond3A_55 = arith.cmpi ne, %convert_element_type3A_53, %cond3A_54 : i32
    scf.if %cond3A_55 {
      %mul3A_79 = arith.constant 2000 : i32
      %mul3A_80 = arith.muli %arg1, %mul3A_79 : i32
      "tpu.region"() ({
        %run_scoped3A = tpu.sem_alloc : memref<!tpu.dma_semaphore, #tpu.memory_space<semaphore_mem>>
        %dma_start3A = tpu.memref_slice %arg23[%mul3A_80] : memref<10000xf32, #tpu.memory_space<vmem_shared>> -> memref<2000xf32, #tpu.memory_space<vmem_shared>>
        %dma_start3A_81 = tpu.memref_slice %arg23[%mul3A_80] : memref<10000xf32, #tpu.memory_space<vmem_shared>> -> memref<2000xf32, #tpu.memory_space<vmem_shared>>
        tpu.enqueue_dma source(%arg22 : memref<2000xf32, #tpu.memory_space<vmem>>) target(%dma_start3A_81 : memref<2000xf32, #tpu.memory_space<vmem_shared>>) target_semaphore(%run_scoped3A : memref<!tpu.dma_semaphore, #tpu.memory_space<semaphore_mem>>)
        %dma_wait3A = tpu.memref_slice %arg23[%mul3A_80] : memref<10000xf32, #tpu.memory_space<vmem_shared>> -> memref<2000xf32, #tpu.memory_space<vmem_shared>>
        %dma_wait3A_82 = tpu.memref_slice %arg23[%mul3A_80] : memref<10000xf32, #tpu.memory_space<vmem_shared>> -> memref<2000xf32, #tpu.memory_space<vmem_shared>>
        tpu.wait_dma2 semaphore(%run_scoped3A : memref<!tpu.dma_semaphore, #tpu.memory_space<semaphore_mem>>) src(%arg22 : memref<2000xf32, #tpu.memory_space<vmem>>) dst(%dma_wait3A_82 : memref<2000xf32, #tpu.memory_space<vmem_shared>>)
        tpu.yield
      }) : () -> ()
    } else {
    }
    %barrier3A = arith.constant 0 : index
    tpu.barrier barrier_id(%barrier3A)
    %eq3A_56 = arith.constant 0 : i32
    %eq3A_57 = arith.cmpi eq, %arg0, %eq3A_56 : i32
    %convert_element_type3A_58 = arith.extui %eq3A_57 : i1 to i32
    %cond3A_59 = arith.constant 0 : i32
    %cond3A_60 = arith.cmpi ne, %convert_element_type3A_58, %cond3A_59 : i32
    scf.if %cond3A_60 {
      %dma_wait3A = arith.constant 0 : i32
      %dma_wait3A_79 = tpu.memref_slice %arg7[%mul3A_6, %dma_wait3A] : memref<2560x128xi32, #tpu.memory_space<hbm>> -> memref<160x128xi32, #tpu.memory_space<hbm>>
      %dma_wait3A_80 = arith.constant 0 : i32
      %dma_wait3A_81 = tpu.memref_slice %arg7[%mul3A_6, %dma_wait3A_80] : memref<2560x128xi32, #tpu.memory_space<hbm>> -> memref<160x128xi32, #tpu.memory_space<hbm>>
      tpu.wait_dma2 semaphore(%arg25 : memref<!tpu.dma_semaphore, #tpu.memory_space<semaphore_mem>>) src(%dma_wait3A_81 : memref<160x128xi32, #tpu.memory_space<hbm>>) dst(%arg20 : memref<160x128xi32, #tpu.memory_space<vmem>>)
      %while3A = arith.constant 0 : i32
      %while3A_82 = arith.constant 0 : i32
      %while3A_83 = arith.subi %min3A_8, %while3A : i32
      %while3A_84 = arith.addi %while3A, %while3A_83 : i32
      %while3A_85 = arith.constant 1 : i32
      %while3A_86 = arith.divsi %while3A_83, %while3A_85 : i32
      %while3A_87 = arith.muli %while3A_86, %while3A_85 : i32
      %while3A_88 = arith.addi %while3A, %while3A_87 : i32
      %while3A_89 = arith.constant 1 : i32
      %while3A_90 = scf.for %while3A_93 = %while3A to %while3A_88 step %while3A_89 iter_args(%while3A_94 = %while3A_82) -> (i32)  : i32 {
        "tpu.region"() ({
          %run_scoped3A = tpu.sem_alloc : memref<!tpu.dma_semaphore, #tpu.memory_space<semaphore_mem>>
          %dma_start3A = arith.constant 0 : i32
          %dma_start3A_96 = tpu.memref_slice %arg20[%while3A_93, %dma_start3A] : memref<160x128xi32, #tpu.memory_space<vmem>> -> memref<1x128xi32, #tpu.memory_space<vmem>>
          %dma_start3A_97 = tpu.memref_squeeze %dma_start3A_96 : memref<1x128xi32, #tpu.memory_space<vmem>> -> memref<128xi32, #tpu.memory_space<vmem>>
          %dma_start3A_98 = arith.constant 0 : i32
          %dma_start3A_99 = tpu.memref_slice %arg23[%dma_start3A_98] : memref<10000xf32, #tpu.memory_space<vmem_shared>> -> memref<10000xf32, #tpu.memory_space<vmem_shared>>
          tpu.enqueue_indirect_dma source(%arg21 : memref<128xf32, #tpu.memory_space<vmem>>) target(%dma_start3A_99 : memref<10000xf32, #tpu.memory_space<vmem_shared>>) offsets(%dma_start3A_97 : memref<128xi32, #tpu.memory_space<vmem>>) semaphore(%run_scoped3A : memref<!tpu.dma_semaphore, #tpu.memory_space<semaphore_mem>>) {add = true}
          %dma_wait3A_100 = arith.constant 0 : i32
          %dma_wait3A_101 = tpu.memref_slice %arg20[%while3A_93, %dma_wait3A_100] : memref<160x128xi32, #tpu.memory_space<vmem>> -> memref<1x128xi32, #tpu.memory_space<vmem>>
          %dma_wait3A_102 = tpu.memref_squeeze %dma_wait3A_101 : memref<1x128xi32, #tpu.memory_space<vmem>> -> memref<128xi32, #tpu.memory_space<vmem>>
          %dma_wait3A_103 = arith.constant 0 : i32
          %dma_wait3A_104 = tpu.memref_slice %arg23[%dma_wait3A_103] : memref<10000xf32, #tpu.memory_space<vmem_shared>> -> memref<10000xf32, #tpu.memory_space<vmem_shared>>
          tpu.wait_indirect_dma semaphore(%run_scoped3A : memref<!tpu.dma_semaphore, #tpu.memory_space<semaphore_mem>>) src(%arg21 : memref<128xf32, #tpu.memory_space<vmem>>) dst(%dma_wait3A_104 : memref<10000xf32, #tpu.memory_space<vmem_shared>>)
          tpu.yield
        }) : () -> ()
        %while3A_95 = arith.constant 0 : i32
        scf.yield %while3A_95 : i32
      }
      %while3A_91 = arith.constant 1 : i32
      %while3A_92 = scf.for %while3A_93 = %while3A_88 to %while3A_84 step %while3A_91 iter_args(%while3A_94 = %while3A_90) -> (i32)  : i32 {
        "tpu.region"() ({
          %run_scoped3A = tpu.sem_alloc : memref<!tpu.dma_semaphore, #tpu.memory_space<semaphore_mem>>
          %dma_start3A = arith.constant 0 : i32
          %dma_start3A_96 = tpu.memref_slice %arg20[%while3A_93, %dma_start3A] : memref<160x128xi32, #tpu.memory_space<vmem>> -> memref<1x128xi32, #tpu.memory_space<vmem>>
          %dma_start3A_97 = tpu.memref_squeeze %dma_start3A_96 : memref<1x128xi32, #tpu.memory_space<vmem>> -> memref<128xi32, #tpu.memory_space<vmem>>
          %dma_start3A_98 = arith.constant 0 : i32
          %dma_start3A_99 = tpu.memref_slice %arg23[%dma_start3A_98] : memref<10000xf32, #tpu.memory_space<vmem_shared>> -> memref<10000xf32, #tpu.memory_space<vmem_shared>>
          tpu.enqueue_indirect_dma source(%arg21 : memref<128xf32, #tpu.memory_space<vmem>>) target(%dma_start3A_99 : memref<10000xf32, #tpu.memory_space<vmem_shared>>) offsets(%dma_start3A_97 : memref<128xi32, #tpu.memory_space<vmem>>) semaphore(%run_scoped3A : memref<!tpu.dma_semaphore, #tpu.memory_space<semaphore_mem>>) {add = true}
          %dma_wait3A_100 = arith.constant 0 : i32
          %dma_wait3A_101 = tpu.memref_slice %arg20[%while3A_93, %dma_wait3A_100] : memref<160x128xi32, #tpu.memory_space<vmem>> -> memref<1x128xi32, #tpu.memory_space<vmem>>
          %dma_wait3A_102 = tpu.memref_squeeze %dma_wait3A_101 : memref<1x128xi32, #tpu.memory_space<vmem>> -> memref<128xi32, #tpu.memory_space<vmem>>
          %dma_wait3A_103 = arith.constant 0 : i32
          %dma_wait3A_104 = tpu.memref_slice %arg23[%dma_wait3A_103] : memref<10000xf32, #tpu.memory_space<vmem_shared>> -> memref<10000xf32, #tpu.memory_space<vmem_shared>>
          tpu.wait_indirect_dma semaphore(%run_scoped3A : memref<!tpu.dma_semaphore, #tpu.memory_space<semaphore_mem>>) src(%arg21 : memref<128xf32, #tpu.memory_space<vmem>>) dst(%dma_wait3A_104 : memref<10000xf32, #tpu.memory_space<vmem_shared>>)
          tpu.yield
        }) : () -> ()
        %while3A_95 = arith.constant 0 : i32
        scf.yield %while3A_95 : i32
      }
    } else {
    }
    tpu.wait_dma2 semaphore(%arg24 : memref<!tpu.dma_semaphore, #tpu.memory_space<semaphore_mem>>) src(%arg2 : memref<10000xf32, #tpu.memory_space<hbm>>) dst(%arg12 : memref<10000xf32, #tpu.memory_space<vmem>>)
    tpu.wait_dma2 semaphore(%arg24 : memref<!tpu.dma_semaphore, #tpu.memory_space<semaphore_mem>>) src(%arg3 : memref<10000xf32, #tpu.memory_space<hbm>>) dst(%arg13 : memref<10000xf32, #tpu.memory_space<vmem>>)
    tpu.wait_dma2 semaphore(%arg24 : memref<!tpu.dma_semaphore, #tpu.memory_space<semaphore_mem>>) src(%arg4 : memref<10000xf32, #tpu.memory_space<hbm>>) dst(%arg14 : memref<10000xf32, #tpu.memory_space<vmem>>)
    %eq3A_61 = arith.constant 0 : i32
    %eq3A_62 = arith.cmpi eq, %arg0, %eq3A_61 : i32
    %convert_element_type3A_63 = arith.extui %eq3A_62 : i1 to i32
    %cond3A_64 = arith.constant 0 : i32
    %cond3A_65 = arith.cmpi ne, %convert_element_type3A_63, %cond3A_64 : i32
    scf.if %cond3A_65 {
      %mul3A_79 = arith.constant 7040 : i32
      %mul3A_80 = arith.muli %arg1, %mul3A_79 : i32
      %dma_wait3A = arith.constant 0 : i32
      %dma_wait3A_81 = tpu.memref_slice %arg15[%dma_wait3A] : memref<12960xi32, #tpu.memory_space<vmem>> -> memref<7040xi32, #tpu.memory_space<vmem>>
      %dma_wait3A_82 = tpu.memref_slice %arg5[%mul3A_80] : memref<320000xi32, #tpu.memory_space<hbm>> -> memref<7040xi32, #tpu.memory_space<hbm>>
      %dma_wait3A_83 = arith.constant 0 : i32
      %dma_wait3A_84 = tpu.memref_slice %arg15[%dma_wait3A_83] : memref<12960xi32, #tpu.memory_space<vmem>> -> memref<7040xi32, #tpu.memory_space<vmem>>
      %dma_wait3A_85 = tpu.memref_slice %arg5[%mul3A_80] : memref<320000xi32, #tpu.memory_space<hbm>> -> memref<7040xi32, #tpu.memory_space<hbm>>
      tpu.wait_dma2 semaphore(%arg24 : memref<!tpu.dma_semaphore, #tpu.memory_space<semaphore_mem>>) src(%dma_wait3A_85 : memref<7040xi32, #tpu.memory_space<hbm>>) dst(%dma_wait3A_84 : memref<7040xi32, #tpu.memory_space<vmem>>)
      %dma_wait3A_86 = arith.constant 0 : i32
      %dma_wait3A_87 = tpu.memref_slice %arg16[%dma_wait3A_86] : memref<12960xi32, #tpu.memory_space<vmem>> -> memref<7040xi32, #tpu.memory_space<vmem>>
      %dma_wait3A_88 = tpu.memref_slice %arg6[%mul3A_80] : memref<320000xi32, #tpu.memory_space<hbm>> -> memref<7040xi32, #tpu.memory_space<hbm>>
      %dma_wait3A_89 = arith.constant 0 : i32
      %dma_wait3A_90 = tpu.memref_slice %arg16[%dma_wait3A_89] : memref<12960xi32, #tpu.memory_space<vmem>> -> memref<7040xi32, #tpu.memory_space<vmem>>
      %dma_wait3A_91 = tpu.memref_slice %arg6[%mul3A_80] : memref<320000xi32, #tpu.memory_space<hbm>> -> memref<7040xi32, #tpu.memory_space<hbm>>
      tpu.wait_dma2 semaphore(%arg24 : memref<!tpu.dma_semaphore, #tpu.memory_space<semaphore_mem>>) src(%dma_wait3A_91 : memref<7040xi32, #tpu.memory_space<hbm>>) dst(%dma_wait3A_90 : memref<7040xi32, #tpu.memory_space<vmem>>)
      %parallel_loop3A = arith.constant 0 : i32
      %parallel_loop3A_92 = arith.constant 440 : i32
      %parallel_loop3A_93 = arith.constant 1 : i32
      scf.for %parallel_loop3A_129 = %parallel_loop3A to %parallel_loop3A_92 step %parallel_loop3A_93  : i32 {
        %parallel_loop3A_130 = arith.constant 16 : i32
        %parallel_loop3A_131 = arith.muli %parallel_loop3A_129, %parallel_loop3A_130 : i32
        %parallel_loop3A_132 = arith.index_cast %parallel_loop3A_131 : i32 to index
        %parallel_loop3A_133 = tpu.vector_load %arg15[%parallel_loop3A_132] {strides = array<i32>} : memref<12960xi32, #tpu.memory_space<vmem>>, vector<16xi32>,
        %parallel_loop3A_134 = arith.index_cast %parallel_loop3A_131 : i32 to index
        %parallel_loop3A_135 = tpu.vector_load %arg16[%parallel_loop3A_134] {strides = array<i32>} : memref<12960xi32, #tpu.memory_space<vmem>>, vector<16xi32>,
        %parallel_loop3A_136 = tpu.vector_load_idx %arg12[%parallel_loop3A_133] : memref<10000xf32, #tpu.memory_space<vmem>>[vector<16xi32>], vector<16xf32>,
        %parallel_loop3A_137 = tpu.vector_load_idx %arg13[%parallel_loop3A_133] : memref<10000xf32, #tpu.memory_space<vmem>>[vector<16xi32>], vector<16xf32>,
        %parallel_loop3A_138 = tpu.vector_load_idx %arg14[%parallel_loop3A_133] : memref<10000xf32, #tpu.memory_space<vmem>>[vector<16xi32>], vector<16xf32>,
        %parallel_loop3A_139 = tpu.vector_load_idx %arg12[%parallel_loop3A_135] : memref<10000xf32, #tpu.memory_space<vmem>>[vector<16xi32>], vector<16xf32>,
        %parallel_loop3A_140 = tpu.vector_load_idx %arg13[%parallel_loop3A_135] : memref<10000xf32, #tpu.memory_space<vmem>>[vector<16xi32>], vector<16xf32>,
        %parallel_loop3A_141 = tpu.vector_load_idx %arg14[%parallel_loop3A_135] : memref<10000xf32, #tpu.memory_space<vmem>>[vector<16xi32>], vector<16xf32>,
        %parallel_loop3A_142 = arith.subf %parallel_loop3A_139, %parallel_loop3A_136 : vector<16xf32>
        %parallel_loop3A_143 = arith.subf %parallel_loop3A_140, %parallel_loop3A_137 : vector<16xf32>
        %parallel_loop3A_144 = arith.subf %parallel_loop3A_141, %parallel_loop3A_138 : vector<16xf32>
        %parallel_loop3A_145 = arith.mulf %parallel_loop3A_142, %parallel_loop3A_142 : vector<16xf32>
        %parallel_loop3A_146 = arith.mulf %parallel_loop3A_143, %parallel_loop3A_143 : vector<16xf32>
        %parallel_loop3A_147 = arith.addf %parallel_loop3A_145, %parallel_loop3A_146 : vector<16xf32>
        %parallel_loop3A_148 = arith.mulf %parallel_loop3A_144, %parallel_loop3A_144 : vector<16xf32>
        %parallel_loop3A_149 = arith.addf %parallel_loop3A_147, %parallel_loop3A_148 : vector<16xf32>
        %parallel_loop3A_150 = vector.bitcast %parallel_loop3A_149 : vector<16xf32> to vector<16xi32>
        %parallel_loop3A_151 = arith.constant 1 : i32
        %parallel_loop3A_152 = vector.broadcast %parallel_loop3A_151 : i32 to vector<16xi32>
        %parallel_loop3A_153 = arith.shrsi %parallel_loop3A_150, %parallel_loop3A_152 : vector<16xi32>
        %parallel_loop3A_154 = arith.constant 1597463007 : i32
        %parallel_loop3A_155 = vector.broadcast %parallel_loop3A_154 : i32 to vector<16xi32>
        %parallel_loop3A_156 = arith.subi %parallel_loop3A_155, %parallel_loop3A_153 : vector<16xi32>
        %parallel_loop3A_157 = vector.bitcast %parallel_loop3A_156 : vector<16xi32> to vector<16xf32>
        %parallel_loop3A_158 = arith.constant 5.000000e-01 : f32
        %parallel_loop3A_159 = vector.broadcast %parallel_loop3A_158 : f32 to vector<16xf32>
        %parallel_loop3A_160 = arith.mulf %parallel_loop3A_159, %parallel_loop3A_149 : vector<16xf32>
        %parallel_loop3A_161 = arith.mulf %parallel_loop3A_160, %parallel_loop3A_157 : vector<16xf32>
        %parallel_loop3A_162 = arith.mulf %parallel_loop3A_161, %parallel_loop3A_157 : vector<16xf32>
        %parallel_loop3A_163 = arith.constant 1.500000e+00 : f32
        %parallel_loop3A_164 = vector.broadcast %parallel_loop3A_163 : f32 to vector<16xf32>
        %parallel_loop3A_165 = arith.subf %parallel_loop3A_164, %parallel_loop3A_162 : vector<16xf32>
        %parallel_loop3A_166 = arith.mulf %parallel_loop3A_157, %parallel_loop3A_165 : vector<16xf32>
        %parallel_loop3A_167 = arith.constant 5.000000e-01 : f32
        %parallel_loop3A_168 = vector.broadcast %parallel_loop3A_167 : f32 to vector<16xf32>
        %parallel_loop3A_169 = arith.mulf %parallel_loop3A_168, %parallel_loop3A_149 : vector<16xf32>
        %parallel_loop3A_170 = arith.mulf %parallel_loop3A_169, %parallel_loop3A_166 : vector<16xf32>
        %parallel_loop3A_171 = arith.mulf %parallel_loop3A_170, %parallel_loop3A_166 : vector<16xf32>
        %parallel_loop3A_172 = arith.constant 1.500000e+00 : f32
        %parallel_loop3A_173 = vector.broadcast %parallel_loop3A_172 : f32 to vector<16xf32>
        %parallel_loop3A_174 = arith.subf %parallel_loop3A_173, %parallel_loop3A_171 : vector<16xf32>
        %parallel_loop3A_175 = arith.mulf %parallel_loop3A_166, %parallel_loop3A_174 : vector<16xf32>
        %parallel_loop3A_176 = arith.constant 5.000000e-01 : f32
        %parallel_loop3A_177 = vector.broadcast %parallel_loop3A_176 : f32 to vector<16xf32>
        %parallel_loop3A_178 = arith.mulf %parallel_loop3A_177, %parallel_loop3A_149 : vector<16xf32>
        %parallel_loop3A_179 = arith.mulf %parallel_loop3A_178, %parallel_loop3A_175 : vector<16xf32>
        %parallel_loop3A_180 = arith.mulf %parallel_loop3A_179, %parallel_loop3A_175 : vector<16xf32>
        %parallel_loop3A_181 = arith.constant 1.500000e+00 : f32
        %parallel_loop3A_182 = vector.broadcast %parallel_loop3A_181 : f32 to vector<16xf32>
        %parallel_loop3A_183 = arith.subf %parallel_loop3A_182, %parallel_loop3A_180 : vector<16xf32>
        %parallel_loop3A_184 = arith.mulf %parallel_loop3A_175, %parallel_loop3A_183 : vector<16xf32>
        %parallel_loop3A_185 = arith.mulf %parallel_loop3A_149, %parallel_loop3A_184 : vector<16xf32>
        %parallel_loop3A_186 = arith.constant 9.99999993E-9 : f32
        %parallel_loop3A_187 = vector.broadcast %parallel_loop3A_186 : f32 to vector<16xf32>
        %parallel_loop3A_188 = arith.addf %parallel_loop3A_185, %parallel_loop3A_187 : vector<16xf32>
        %parallel_loop3A_189 = arith.constant 1.000000e+00 : f32
        %parallel_loop3A_190 = vector.broadcast %parallel_loop3A_189 : f32 to vector<16xf32>
        %parallel_loop3A_191 = arith.divf %parallel_loop3A_190, %parallel_loop3A_188 : vector<16xf32>
        %parallel_loop3A_192 = arith.mulf %parallel_loop3A_142, %parallel_loop3A_191 : vector<16xf32>
        %parallel_loop3A_193 = arith.index_cast %parallel_loop3A_131 : i32 to index
        %parallel_loop3A_194 = tpu.vector_load %arg17[%parallel_loop3A_193] {strides = array<i32>} : memref<12960xf32, #tpu.memory_space<vmem>>, vector<16xf32>,
        tpu.vector_store %arg17[%parallel_loop3A_193], %parallel_loop3A_192 {strides = array<i32>} : memref<12960xf32, #tpu.memory_space<vmem>>, vector<16xf32>,
        %parallel_loop3A_195 = arith.mulf %parallel_loop3A_143, %parallel_loop3A_191 : vector<16xf32>
        %parallel_loop3A_196 = arith.index_cast %parallel_loop3A_131 : i32 to index
        %parallel_loop3A_197 = tpu.vector_load %arg18[%parallel_loop3A_196] {strides = array<i32>} : memref<12960xf32, #tpu.memory_space<vmem>>, vector<16xf32>,
        tpu.vector_store %arg18[%parallel_loop3A_196], %parallel_loop3A_195 {strides = array<i32>} : memref<12960xf32, #tpu.memory_space<vmem>>, vector<16xf32>,
        %parallel_loop3A_198 = arith.mulf %parallel_loop3A_144, %parallel_loop3A_191 : vector<16xf32>
        %parallel_loop3A_199 = arith.index_cast %parallel_loop3A_131 : i32 to index
        %parallel_loop3A_200 = tpu.vector_load %arg19[%parallel_loop3A_199] {strides = array<i32>} : memref<12960xf32, #tpu.memory_space<vmem>>, vector<16xf32>,
        tpu.vector_store %arg19[%parallel_loop3A_199], %parallel_loop3A_198 {strides = array<i32>} : memref<12960xf32, #tpu.memory_space<vmem>>, vector<16xf32>,
      } {sc.loop_unroll_factor = 8 : i64, sc.parallel_access}
      %dma_start3A = arith.constant 0 : i32
      %dma_start3A_94 = tpu.memref_slice %arg17[%dma_start3A] : memref<12960xf32, #tpu.memory_space<vmem>> -> memref<7040xf32, #tpu.memory_space<vmem>>
      %dma_start3A_95 = tpu.memref_slice %arg9[%mul3A_80] : memref<320000xf32, #tpu.memory_space<hbm>> -> memref<7040xf32, #tpu.memory_space<hbm>>
      %dma_start3A_96 = tpu.memref_slice %arg9[%mul3A_80] : memref<320000xf32, #tpu.memory_space<hbm>> -> memref<7040xf32, #tpu.memory_space<hbm>>
      %dma_start3A_97 = arith.constant 0 : i32
      %dma_start3A_98 = tpu.memref_slice %arg17[%dma_start3A_97] : memref<12960xf32, #tpu.memory_space<vmem>> -> memref<7040xf32, #tpu.memory_space<vmem>>
      tpu.enqueue_dma source(%dma_start3A_98 : memref<7040xf32, #tpu.memory_space<vmem>>) target(%dma_start3A_96 : memref<7040xf32, #tpu.memory_space<hbm>>) target_semaphore(%arg24 : memref<!tpu.dma_semaphore, #tpu.memory_space<semaphore_mem>>)
      %dma_start3A_99 = arith.constant 0 : i32
      %dma_start3A_100 = tpu.memref_slice %arg18[%dma_start3A_99] : memref<12960xf32, #tpu.memory_space<vmem>> -> memref<7040xf32, #tpu.memory_space<vmem>>
      %dma_start3A_101 = tpu.memref_slice %arg10[%mul3A_80] : memref<320000xf32, #tpu.memory_space<hbm>> -> memref<7040xf32, #tpu.memory_space<hbm>>
      %dma_start3A_102 = tpu.memref_slice %arg10[%mul3A_80] : memref<320000xf32, #tpu.memory_space<hbm>> -> memref<7040xf32, #tpu.memory_space<hbm>>
      %dma_start3A_103 = arith.constant 0 : i32
      %dma_start3A_104 = tpu.memref_slice %arg18[%dma_start3A_103] : memref<12960xf32, #tpu.memory_space<vmem>> -> memref<7040xf32, #tpu.memory_space<vmem>>
      tpu.enqueue_dma source(%dma_start3A_104 : memref<7040xf32, #tpu.memory_space<vmem>>) target(%dma_start3A_102 : memref<7040xf32, #tpu.memory_space<hbm>>) target_semaphore(%arg24 : memref<!tpu.dma_semaphore, #tpu.memory_space<semaphore_mem>>)
      %dma_start3A_105 = arith.constant 0 : i32
      %dma_start3A_106 = tpu.memref_slice %arg19[%dma_start3A_105] : memref<12960xf32, #tpu.memory_space<vmem>> -> memref<7040xf32, #tpu.memory_space<vmem>>
      %dma_start3A_107 = tpu.memref_slice %arg11[%mul3A_80] : memref<320000xf32, #tpu.memory_space<hbm>> -> memref<7040xf32, #tpu.memory_space<hbm>>
      %dma_start3A_108 = tpu.memref_slice %arg11[%mul3A_80] : memref<320000xf32, #tpu.memory_space<hbm>> -> memref<7040xf32, #tpu.memory_space<hbm>>
      %dma_start3A_109 = arith.constant 0 : i32
      %dma_start3A_110 = tpu.memref_slice %arg19[%dma_start3A_109] : memref<12960xf32, #tpu.memory_space<vmem>> -> memref<7040xf32, #tpu.memory_space<vmem>>
      tpu.enqueue_dma source(%dma_start3A_110 : memref<7040xf32, #tpu.memory_space<vmem>>) target(%dma_start3A_108 : memref<7040xf32, #tpu.memory_space<hbm>>) target_semaphore(%arg24 : memref<!tpu.dma_semaphore, #tpu.memory_space<semaphore_mem>>)
      %dma_wait3A_111 = arith.constant 0 : i32
      %dma_wait3A_112 = tpu.memref_slice %arg17[%dma_wait3A_111] : memref<12960xf32, #tpu.memory_space<vmem>> -> memref<7040xf32, #tpu.memory_space<vmem>>
      %dma_wait3A_113 = tpu.memref_slice %arg9[%mul3A_80] : memref<320000xf32, #tpu.memory_space<hbm>> -> memref<7040xf32, #tpu.memory_space<hbm>>
      %dma_wait3A_114 = tpu.memref_slice %arg9[%mul3A_80] : memref<320000xf32, #tpu.memory_space<hbm>> -> memref<7040xf32, #tpu.memory_space<hbm>>
      %dma_wait3A_115 = arith.constant 0 : i32
      %dma_wait3A_116 = tpu.memref_slice %arg17[%dma_wait3A_115] : memref<12960xf32, #tpu.memory_space<vmem>> -> memref<7040xf32, #tpu.memory_space<vmem>>
      tpu.wait_dma2 semaphore(%arg24 : memref<!tpu.dma_semaphore, #tpu.memory_space<semaphore_mem>>) src(%dma_wait3A_116 : memref<7040xf32, #tpu.memory_space<vmem>>) dst(%dma_wait3A_114 : memref<7040xf32, #tpu.memory_space<hbm>>)
      %dma_wait3A_117 = arith.constant 0 : i32
      %dma_wait3A_118 = tpu.memref_slice %arg18[%dma_wait3A_117] : memref<12960xf32, #tpu.memory_space<vmem>> -> memref<7040xf32, #tpu.memory_space<vmem>>
      %dma_wait3A_119 = tpu.memref_slice %arg10[%mul3A_80] : memref<320000xf32, #tpu.memory_space<hbm>> -> memref<7040xf32, #tpu.memory_space<hbm>>
      %dma_wait3A_120 = tpu.memref_slice %arg10[%mul3A_80] : memref<320000xf32, #tpu.memory_space<hbm>> -> memref<7040xf32, #tpu.memory_space<hbm>>
      %dma_wait3A_121 = arith.constant 0 : i32
      %dma_wait3A_122 = tpu.memref_slice %arg18[%dma_wait3A_121] : memref<12960xf32, #tpu.memory_space<vmem>> -> memref<7040xf32, #tpu.memory_space<vmem>>
      tpu.wait_dma2 semaphore(%arg24 : memref<!tpu.dma_semaphore, #tpu.memory_space<semaphore_mem>>) src(%dma_wait3A_122 : memref<7040xf32, #tpu.memory_space<vmem>>) dst(%dma_wait3A_120 : memref<7040xf32, #tpu.memory_space<hbm>>)
      %dma_wait3A_123 = arith.constant 0 : i32
      %dma_wait3A_124 = tpu.memref_slice %arg19[%dma_wait3A_123] : memref<12960xf32, #tpu.memory_space<vmem>> -> memref<7040xf32, #tpu.memory_space<vmem>>
      %dma_wait3A_125 = tpu.memref_slice %arg11[%mul3A_80] : memref<320000xf32, #tpu.memory_space<hbm>> -> memref<7040xf32, #tpu.memory_space<hbm>>
      %dma_wait3A_126 = tpu.memref_slice %arg11[%mul3A_80] : memref<320000xf32, #tpu.memory_space<hbm>> -> memref<7040xf32, #tpu.memory_space<hbm>>
      %dma_wait3A_127 = arith.constant 0 : i32
      %dma_wait3A_128 = tpu.memref_slice %arg19[%dma_wait3A_127] : memref<12960xf32, #tpu.memory_space<vmem>> -> memref<7040xf32, #tpu.memory_space<vmem>>
      tpu.wait_dma2 semaphore(%arg24 : memref<!tpu.dma_semaphore, #tpu.memory_space<semaphore_mem>>) src(%dma_wait3A_128 : memref<7040xf32, #tpu.memory_space<vmem>>) dst(%dma_wait3A_126 : memref<7040xf32, #tpu.memory_space<hbm>>)
    } else {
    }
    %ne3A_66 = arith.constant 0 : i32
    %ne3A_67 = arith.cmpi ne, %arg0, %ne3A_66 : i32
    %convert_element_type3A_68 = arith.extui %ne3A_67 : i1 to i32
    %cond3A_69 = arith.constant 0 : i32
    %cond3A_70 = arith.cmpi ne, %convert_element_type3A_68, %cond3A_69 : i32
    scf.if %cond3A_70 {
      %mul3A_79 = arith.constant 12960 : i32
      %mul3A_80 = arith.muli %arg1, %mul3A_79 : i32
      %add3A = arith.constant 112640 : i32
      %add3A_81 = arith.addi %add3A, %mul3A_80 : i32
      %dma_wait3A = arith.constant 0 : i32
      %dma_wait3A_82 = tpu.memref_slice %arg15[%dma_wait3A] : memref<12960xi32, #tpu.memory_space<vmem>> -> memref<12960xi32, #tpu.memory_space<vmem>>
      %dma_wait3A_83 = tpu.memref_slice %arg5[%add3A_81] : memref<320000xi32, #tpu.memory_space<hbm>> -> memref<12960xi32, #tpu.memory_space<hbm>>
      %dma_wait3A_84 = arith.constant 0 : i32
      %dma_wait3A_85 = tpu.memref_slice %arg15[%dma_wait3A_84] : memref<12960xi32, #tpu.memory_space<vmem>> -> memref<12960xi32, #tpu.memory_space<vmem>>
      %dma_wait3A_86 = tpu.memref_slice %arg5[%add3A_81] : memref<320000xi32, #tpu.memory_space<hbm>> -> memref<12960xi32, #tpu.memory_space<hbm>>
      tpu.wait_dma2 semaphore(%arg24 : memref<!tpu.dma_semaphore, #tpu.memory_space<semaphore_mem>>) src(%dma_wait3A_86 : memref<12960xi32, #tpu.memory_space<hbm>>) dst(%dma_wait3A_85 : memref<12960xi32, #tpu.memory_space<vmem>>)
      %dma_wait3A_87 = arith.constant 0 : i32
      %dma_wait3A_88 = tpu.memref_slice %arg16[%dma_wait3A_87] : memref<12960xi32, #tpu.memory_space<vmem>> -> memref<12960xi32, #tpu.memory_space<vmem>>
      %dma_wait3A_89 = tpu.memref_slice %arg6[%add3A_81] : memref<320000xi32, #tpu.memory_space<hbm>> -> memref<12960xi32, #tpu.memory_space<hbm>>
      %dma_wait3A_90 = arith.constant 0 : i32
      %dma_wait3A_91 = tpu.memref_slice %arg16[%dma_wait3A_90] : memref<12960xi32, #tpu.memory_space<vmem>> -> memref<12960xi32, #tpu.memory_space<vmem>>
      %dma_wait3A_92 = tpu.memref_slice %arg6[%add3A_81] : memref<320000xi32, #tpu.memory_space<hbm>> -> memref<12960xi32, #tpu.memory_space<hbm>>
      tpu.wait_dma2 semaphore(%arg24 : memref<!tpu.dma_semaphore, #tpu.memory_space<semaphore_mem>>) src(%dma_wait3A_92 : memref<12960xi32, #tpu.memory_space<hbm>>) dst(%dma_wait3A_91 : memref<12960xi32, #tpu.memory_space<vmem>>)
      %parallel_loop3A = arith.constant 0 : i32
      %parallel_loop3A_93 = arith.constant 810 : i32
      %parallel_loop3A_94 = arith.constant 1 : i32
      scf.for %parallel_loop3A_130 = %parallel_loop3A to %parallel_loop3A_93 step %parallel_loop3A_94  : i32 {
        %parallel_loop3A_131 = arith.constant 16 : i32
        %parallel_loop3A_132 = arith.muli %parallel_loop3A_130, %parallel_loop3A_131 : i32
        %parallel_loop3A_133 = arith.index_cast %parallel_loop3A_132 : i32 to index
        %parallel_loop3A_134 = tpu.vector_load %arg15[%parallel_loop3A_133] {strides = array<i32>} : memref<12960xi32, #tpu.memory_space<vmem>>, vector<16xi32>,
        %parallel_loop3A_135 = arith.index_cast %parallel_loop3A_132 : i32 to index
        %parallel_loop3A_136 = tpu.vector_load %arg16[%parallel_loop3A_135] {strides = array<i32>} : memref<12960xi32, #tpu.memory_space<vmem>>, vector<16xi32>,
        %parallel_loop3A_137 = tpu.vector_load_idx %arg12[%parallel_loop3A_134] : memref<10000xf32, #tpu.memory_space<vmem>>[vector<16xi32>], vector<16xf32>,
        %parallel_loop3A_138 = tpu.vector_load_idx %arg13[%parallel_loop3A_134] : memref<10000xf32, #tpu.memory_space<vmem>>[vector<16xi32>], vector<16xf32>,
        %parallel_loop3A_139 = tpu.vector_load_idx %arg14[%parallel_loop3A_134] : memref<10000xf32, #tpu.memory_space<vmem>>[vector<16xi32>], vector<16xf32>,
        %parallel_loop3A_140 = tpu.vector_load_idx %arg12[%parallel_loop3A_136] : memref<10000xf32, #tpu.memory_space<vmem>>[vector<16xi32>], vector<16xf32>,
        %parallel_loop3A_141 = tpu.vector_load_idx %arg13[%parallel_loop3A_136] : memref<10000xf32, #tpu.memory_space<vmem>>[vector<16xi32>], vector<16xf32>,
        %parallel_loop3A_142 = tpu.vector_load_idx %arg14[%parallel_loop3A_136] : memref<10000xf32, #tpu.memory_space<vmem>>[vector<16xi32>], vector<16xf32>,
        %parallel_loop3A_143 = arith.subf %parallel_loop3A_140, %parallel_loop3A_137 : vector<16xf32>
        %parallel_loop3A_144 = arith.subf %parallel_loop3A_141, %parallel_loop3A_138 : vector<16xf32>
        %parallel_loop3A_145 = arith.subf %parallel_loop3A_142, %parallel_loop3A_139 : vector<16xf32>
        %parallel_loop3A_146 = arith.mulf %parallel_loop3A_143, %parallel_loop3A_143 : vector<16xf32>
        %parallel_loop3A_147 = arith.mulf %parallel_loop3A_144, %parallel_loop3A_144 : vector<16xf32>
        %parallel_loop3A_148 = arith.addf %parallel_loop3A_146, %parallel_loop3A_147 : vector<16xf32>
        %parallel_loop3A_149 = arith.mulf %parallel_loop3A_145, %parallel_loop3A_145 : vector<16xf32>
        %parallel_loop3A_150 = arith.addf %parallel_loop3A_148, %parallel_loop3A_149 : vector<16xf32>
        %parallel_loop3A_151 = vector.bitcast %parallel_loop3A_150 : vector<16xf32> to vector<16xi32>
        %parallel_loop3A_152 = arith.constant 1 : i32
        %parallel_loop3A_153 = vector.broadcast %parallel_loop3A_152 : i32 to vector<16xi32>
        %parallel_loop3A_154 = arith.shrsi %parallel_loop3A_151, %parallel_loop3A_153 : vector<16xi32>
        %parallel_loop3A_155 = arith.constant 1597463007 : i32
        %parallel_loop3A_156 = vector.broadcast %parallel_loop3A_155 : i32 to vector<16xi32>
        %parallel_loop3A_157 = arith.subi %parallel_loop3A_156, %parallel_loop3A_154 : vector<16xi32>
        %parallel_loop3A_158 = vector.bitcast %parallel_loop3A_157 : vector<16xi32> to vector<16xf32>
        %parallel_loop3A_159 = arith.constant 5.000000e-01 : f32
        %parallel_loop3A_160 = vector.broadcast %parallel_loop3A_159 : f32 to vector<16xf32>
        %parallel_loop3A_161 = arith.mulf %parallel_loop3A_160, %parallel_loop3A_150 : vector<16xf32>
        %parallel_loop3A_162 = arith.mulf %parallel_loop3A_161, %parallel_loop3A_158 : vector<16xf32>
        %parallel_loop3A_163 = arith.mulf %parallel_loop3A_162, %parallel_loop3A_158 : vector<16xf32>
        %parallel_loop3A_164 = arith.constant 1.500000e+00 : f32
        %parallel_loop3A_165 = vector.broadcast %parallel_loop3A_164 : f32 to vector<16xf32>
        %parallel_loop3A_166 = arith.subf %parallel_loop3A_165, %parallel_loop3A_163 : vector<16xf32>
        %parallel_loop3A_167 = arith.mulf %parallel_loop3A_158, %parallel_loop3A_166 : vector<16xf32>
        %parallel_loop3A_168 = arith.constant 5.000000e-01 : f32
        %parallel_loop3A_169 = vector.broadcast %parallel_loop3A_168 : f32 to vector<16xf32>
        %parallel_loop3A_170 = arith.mulf %parallel_loop3A_169, %parallel_loop3A_150 : vector<16xf32>
        %parallel_loop3A_171 = arith.mulf %parallel_loop3A_170, %parallel_loop3A_167 : vector<16xf32>
        %parallel_loop3A_172 = arith.mulf %parallel_loop3A_171, %parallel_loop3A_167 : vector<16xf32>
        %parallel_loop3A_173 = arith.constant 1.500000e+00 : f32
        %parallel_loop3A_174 = vector.broadcast %parallel_loop3A_173 : f32 to vector<16xf32>
        %parallel_loop3A_175 = arith.subf %parallel_loop3A_174, %parallel_loop3A_172 : vector<16xf32>
        %parallel_loop3A_176 = arith.mulf %parallel_loop3A_167, %parallel_loop3A_175 : vector<16xf32>
        %parallel_loop3A_177 = arith.constant 5.000000e-01 : f32
        %parallel_loop3A_178 = vector.broadcast %parallel_loop3A_177 : f32 to vector<16xf32>
        %parallel_loop3A_179 = arith.mulf %parallel_loop3A_178, %parallel_loop3A_150 : vector<16xf32>
        %parallel_loop3A_180 = arith.mulf %parallel_loop3A_179, %parallel_loop3A_176 : vector<16xf32>
        %parallel_loop3A_181 = arith.mulf %parallel_loop3A_180, %parallel_loop3A_176 : vector<16xf32>
        %parallel_loop3A_182 = arith.constant 1.500000e+00 : f32
        %parallel_loop3A_183 = vector.broadcast %parallel_loop3A_182 : f32 to vector<16xf32>
        %parallel_loop3A_184 = arith.subf %parallel_loop3A_183, %parallel_loop3A_181 : vector<16xf32>
        %parallel_loop3A_185 = arith.mulf %parallel_loop3A_176, %parallel_loop3A_184 : vector<16xf32>
        %parallel_loop3A_186 = arith.mulf %parallel_loop3A_150, %parallel_loop3A_185 : vector<16xf32>
        %parallel_loop3A_187 = arith.constant 9.99999993E-9 : f32
        %parallel_loop3A_188 = vector.broadcast %parallel_loop3A_187 : f32 to vector<16xf32>
        %parallel_loop3A_189 = arith.addf %parallel_loop3A_186, %parallel_loop3A_188 : vector<16xf32>
        %parallel_loop3A_190 = arith.constant 1.000000e+00 : f32
        %parallel_loop3A_191 = vector.broadcast %parallel_loop3A_190 : f32 to vector<16xf32>
        %parallel_loop3A_192 = arith.divf %parallel_loop3A_191, %parallel_loop3A_189 : vector<16xf32>
        %parallel_loop3A_193 = arith.mulf %parallel_loop3A_143, %parallel_loop3A_192 : vector<16xf32>
        %parallel_loop3A_194 = arith.index_cast %parallel_loop3A_132 : i32 to index
        %parallel_loop3A_195 = tpu.vector_load %arg17[%parallel_loop3A_194] {strides = array<i32>} : memref<12960xf32, #tpu.memory_space<vmem>>, vector<16xf32>,
        tpu.vector_store %arg17[%parallel_loop3A_194], %parallel_loop3A_193 {strides = array<i32>} : memref<12960xf32, #tpu.memory_space<vmem>>, vector<16xf32>,
        %parallel_loop3A_196 = arith.mulf %parallel_loop3A_144, %parallel_loop3A_192 : vector<16xf32>
        %parallel_loop3A_197 = arith.index_cast %parallel_loop3A_132 : i32 to index
        %parallel_loop3A_198 = tpu.vector_load %arg18[%parallel_loop3A_197] {strides = array<i32>} : memref<12960xf32, #tpu.memory_space<vmem>>, vector<16xf32>,
        tpu.vector_store %arg18[%parallel_loop3A_197], %parallel_loop3A_196 {strides = array<i32>} : memref<12960xf32, #tpu.memory_space<vmem>>, vector<16xf32>,
        %parallel_loop3A_199 = arith.mulf %parallel_loop3A_145, %parallel_loop3A_192 : vector<16xf32>
        %parallel_loop3A_200 = arith.index_cast %parallel_loop3A_132 : i32 to index
        %parallel_loop3A_201 = tpu.vector_load %arg19[%parallel_loop3A_200] {strides = array<i32>} : memref<12960xf32, #tpu.memory_space<vmem>>, vector<16xf32>,
        tpu.vector_store %arg19[%parallel_loop3A_200], %parallel_loop3A_199 {strides = array<i32>} : memref<12960xf32, #tpu.memory_space<vmem>>, vector<16xf32>,
      } {sc.loop_unroll_factor = 8 : i64, sc.parallel_access}
      %dma_start3A = arith.constant 0 : i32
      %dma_start3A_95 = tpu.memref_slice %arg17[%dma_start3A] : memref<12960xf32, #tpu.memory_space<vmem>> -> memref<12960xf32, #tpu.memory_space<vmem>>
      %dma_start3A_96 = tpu.memref_slice %arg9[%add3A_81] : memref<320000xf32, #tpu.memory_space<hbm>> -> memref<12960xf32, #tpu.memory_space<hbm>>
      %dma_start3A_97 = tpu.memref_slice %arg9[%add3A_81] : memref<320000xf32, #tpu.memory_space<hbm>> -> memref<12960xf32, #tpu.memory_space<hbm>>
      %dma_start3A_98 = arith.constant 0 : i32
      %dma_start3A_99 = tpu.memref_slice %arg17[%dma_start3A_98] : memref<12960xf32, #tpu.memory_space<vmem>> -> memref<12960xf32, #tpu.memory_space<vmem>>
      tpu.enqueue_dma source(%dma_start3A_99 : memref<12960xf32, #tpu.memory_space<vmem>>) target(%dma_start3A_97 : memref<12960xf32, #tpu.memory_space<hbm>>) target_semaphore(%arg24 : memref<!tpu.dma_semaphore, #tpu.memory_space<semaphore_mem>>)
      %dma_start3A_100 = arith.constant 0 : i32
      %dma_start3A_101 = tpu.memref_slice %arg18[%dma_start3A_100] : memref<12960xf32, #tpu.memory_space<vmem>> -> memref<12960xf32, #tpu.memory_space<vmem>>
      %dma_start3A_102 = tpu.memref_slice %arg10[%add3A_81] : memref<320000xf32, #tpu.memory_space<hbm>> -> memref<12960xf32, #tpu.memory_space<hbm>>
      %dma_start3A_103 = tpu.memref_slice %arg10[%add3A_81] : memref<320000xf32, #tpu.memory_space<hbm>> -> memref<12960xf32, #tpu.memory_space<hbm>>
      %dma_start3A_104 = arith.constant 0 : i32
      %dma_start3A_105 = tpu.memref_slice %arg18[%dma_start3A_104] : memref<12960xf32, #tpu.memory_space<vmem>> -> memref<12960xf32, #tpu.memory_space<vmem>>
      tpu.enqueue_dma source(%dma_start3A_105 : memref<12960xf32, #tpu.memory_space<vmem>>) target(%dma_start3A_103 : memref<12960xf32, #tpu.memory_space<hbm>>) target_semaphore(%arg24 : memref<!tpu.dma_semaphore, #tpu.memory_space<semaphore_mem>>)
      %dma_start3A_106 = arith.constant 0 : i32
      %dma_start3A_107 = tpu.memref_slice %arg19[%dma_start3A_106] : memref<12960xf32, #tpu.memory_space<vmem>> -> memref<12960xf32, #tpu.memory_space<vmem>>
      %dma_start3A_108 = tpu.memref_slice %arg11[%add3A_81] : memref<320000xf32, #tpu.memory_space<hbm>> -> memref<12960xf32, #tpu.memory_space<hbm>>
      %dma_start3A_109 = tpu.memref_slice %arg11[%add3A_81] : memref<320000xf32, #tpu.memory_space<hbm>> -> memref<12960xf32, #tpu.memory_space<hbm>>
      %dma_start3A_110 = arith.constant 0 : i32
      %dma_start3A_111 = tpu.memref_slice %arg19[%dma_start3A_110] : memref<12960xf32, #tpu.memory_space<vmem>> -> memref<12960xf32, #tpu.memory_space<vmem>>
      tpu.enqueue_dma source(%dma_start3A_111 : memref<12960xf32, #tpu.memory_space<vmem>>) target(%dma_start3A_109 : memref<12960xf32, #tpu.memory_space<hbm>>) target_semaphore(%arg24 : memref<!tpu.dma_semaphore, #tpu.memory_space<semaphore_mem>>)
      %dma_wait3A_112 = arith.constant 0 : i32
      %dma_wait3A_113 = tpu.memref_slice %arg17[%dma_wait3A_112] : memref<12960xf32, #tpu.memory_space<vmem>> -> memref<12960xf32, #tpu.memory_space<vmem>>
      %dma_wait3A_114 = tpu.memref_slice %arg9[%add3A_81] : memref<320000xf32, #tpu.memory_space<hbm>> -> memref<12960xf32, #tpu.memory_space<hbm>>
      %dma_wait3A_115 = tpu.memref_slice %arg9[%add3A_81] : memref<320000xf32, #tpu.memory_space<hbm>> -> memref<12960xf32, #tpu.memory_space<hbm>>
      %dma_wait3A_116 = arith.constant 0 : i32
      %dma_wait3A_117 = tpu.memref_slice %arg17[%dma_wait3A_116] : memref<12960xf32, #tpu.memory_space<vmem>> -> memref<12960xf32, #tpu.memory_space<vmem>>
      tpu.wait_dma2 semaphore(%arg24 : memref<!tpu.dma_semaphore, #tpu.memory_space<semaphore_mem>>) src(%dma_wait3A_117 : memref<12960xf32, #tpu.memory_space<vmem>>) dst(%dma_wait3A_115 : memref<12960xf32, #tpu.memory_space<hbm>>)
      %dma_wait3A_118 = arith.constant 0 : i32
      %dma_wait3A_119 = tpu.memref_slice %arg18[%dma_wait3A_118] : memref<12960xf32, #tpu.memory_space<vmem>> -> memref<12960xf32, #tpu.memory_space<vmem>>
      %dma_wait3A_120 = tpu.memref_slice %arg10[%add3A_81] : memref<320000xf32, #tpu.memory_space<hbm>> -> memref<12960xf32, #tpu.memory_space<hbm>>
      %dma_wait3A_121 = tpu.memref_slice %arg10[%add3A_81] : memref<320000xf32, #tpu.memory_space<hbm>> -> memref<12960xf32, #tpu.memory_space<hbm>>
      %dma_wait3A_122 = arith.constant 0 : i32
      %dma_wait3A_123 = tpu.memref_slice %arg18[%dma_wait3A_122] : memref<12960xf32, #tpu.memory_space<vmem>> -> memref<12960xf32, #tpu.memory_space<vmem>>
      tpu.wait_dma2 semaphore(%arg24 : memref<!tpu.dma_semaphore, #tpu.memory_space<semaphore_mem>>) src(%dma_wait3A_123 : memref<12960xf32, #tpu.memory_space<vmem>>) dst(%dma_wait3A_121 : memref<12960xf32, #tpu.memory_space<hbm>>)
      %dma_wait3A_124 = arith.constant 0 : i32
      %dma_wait3A_125 = tpu.memref_slice %arg19[%dma_wait3A_124] : memref<12960xf32, #tpu.memory_space<vmem>> -> memref<12960xf32, #tpu.memory_space<vmem>>
      %dma_wait3A_126 = tpu.memref_slice %arg11[%add3A_81] : memref<320000xf32, #tpu.memory_space<hbm>> -> memref<12960xf32, #tpu.memory_space<hbm>>
      %dma_wait3A_127 = tpu.memref_slice %arg11[%add3A_81] : memref<320000xf32, #tpu.memory_space<hbm>> -> memref<12960xf32, #tpu.memory_space<hbm>>
      %dma_wait3A_128 = arith.constant 0 : i32
      %dma_wait3A_129 = tpu.memref_slice %arg19[%dma_wait3A_128] : memref<12960xf32, #tpu.memory_space<vmem>> -> memref<12960xf32, #tpu.memory_space<vmem>>
      tpu.wait_dma2 semaphore(%arg24 : memref<!tpu.dma_semaphore, #tpu.memory_space<semaphore_mem>>) src(%dma_wait3A_129 : memref<12960xf32, #tpu.memory_space<vmem>>) dst(%dma_wait3A_127 : memref<12960xf32, #tpu.memory_space<hbm>>)
    } else {
    }
    %barrier3A_71 = arith.constant 0 : index
    tpu.barrier barrier_id(%barrier3A_71)
    %eq3A_72 = arith.constant 0 : i32
    %eq3A_73 = arith.cmpi eq, %arg0, %eq3A_72 : i32
    %lt3A_74 = arith.constant 10 : i32
    %lt3A_75 = arith.cmpi slt, %arg1, %lt3A_74 : i32
    %and3A = arith.andi %eq3A_73, %lt3A_75 : i1
    %convert_element_type3A_76 = arith.extui %and3A : i1 to i32
    %cond3A_77 = arith.constant 0 : i32
    %cond3A_78 = arith.cmpi ne, %convert_element_type3A_76, %cond3A_77 : i32
    scf.if %cond3A_78 {
      %mul3A_79 = arith.constant 1000 : i32
      %mul3A_80 = arith.muli %arg1, %mul3A_79 : i32
      "tpu.region"() ({
        %run_scoped3A = tpu.sem_alloc : memref<!tpu.dma_semaphore, #tpu.memory_space<semaphore_mem>>
        %dma_start3A = arith.constant 0 : i32
        %dma_start3A_83 = tpu.memref_slice %arg22[%dma_start3A] : memref<2000xf32, #tpu.memory_space<vmem>> -> memref<1000xf32, #tpu.memory_space<vmem>>
        %dma_start3A_84 = tpu.memref_slice %arg23[%mul3A_80] : memref<10000xf32, #tpu.memory_space<vmem_shared>> -> memref<1000xf32, #tpu.memory_space<vmem_shared>>
        %dma_start3A_85 = arith.constant 0 : i32
        %dma_start3A_86 = tpu.memref_slice %arg22[%dma_start3A_85] : memref<2000xf32, #tpu.memory_space<vmem>> -> memref<1000xf32, #tpu.memory_space<vmem>>
        %dma_start3A_87 = tpu.memref_slice %arg23[%mul3A_80] : memref<10000xf32, #tpu.memory_space<vmem_shared>> -> memref<1000xf32, #tpu.memory_space<vmem_shared>>
        tpu.enqueue_dma source(%dma_start3A_87 : memref<1000xf32, #tpu.memory_space<vmem_shared>>) target(%dma_start3A_86 : memref<1000xf32, #tpu.memory_space<vmem>>) target_semaphore(%run_scoped3A : memref<!tpu.dma_semaphore, #tpu.memory_space<semaphore_mem>>)
        %dma_wait3A = arith.constant 0 : i32
        %dma_wait3A_88 = tpu.memref_slice %arg22[%dma_wait3A] : memref<2000xf32, #tpu.memory_space<vmem>> -> memref<1000xf32, #tpu.memory_space<vmem>>
        %dma_wait3A_89 = tpu.memref_slice %arg23[%mul3A_80] : memref<10000xf32, #tpu.memory_space<vmem_shared>> -> memref<1000xf32, #tpu.memory_space<vmem_shared>>
        %dma_wait3A_90 = arith.constant 0 : i32
        %dma_wait3A_91 = tpu.memref_slice %arg22[%dma_wait3A_90] : memref<2000xf32, #tpu.memory_space<vmem>> -> memref<1000xf32, #tpu.memory_space<vmem>>
        %dma_wait3A_92 = tpu.memref_slice %arg23[%mul3A_80] : memref<10000xf32, #tpu.memory_space<vmem_shared>> -> memref<1000xf32, #tpu.memory_space<vmem_shared>>
        tpu.wait_dma2 semaphore(%run_scoped3A : memref<!tpu.dma_semaphore, #tpu.memory_space<semaphore_mem>>) src(%dma_wait3A_92 : memref<1000xf32, #tpu.memory_space<vmem_shared>>) dst(%dma_wait3A_91 : memref<1000xf32, #tpu.memory_space<vmem>>)
        tpu.yield
      }) : () -> ()
      %mul3A_81 = arith.constant 1000 : i32
      %mul3A_82 = arith.muli %arg1, %mul3A_81 : i32
      "tpu.region"() ({
        %run_scoped3A = tpu.sem_alloc : memref<!tpu.dma_semaphore, #tpu.memory_space<semaphore_mem>>
        %dma_start3A = arith.constant 0 : i32
        %dma_start3A_83 = tpu.memref_slice %arg22[%dma_start3A] : memref<2000xf32, #tpu.memory_space<vmem>> -> memref<1000xf32, #tpu.memory_space<vmem>>
        %dma_start3A_84 = tpu.memref_slice %arg8[%mul3A_82] : memref<10000xf32, #tpu.memory_space<hbm>> -> memref<1000xf32, #tpu.memory_space<hbm>>
        %dma_start3A_85 = tpu.memref_slice %arg8[%mul3A_82] : memref<10000xf32, #tpu.memory_space<hbm>> -> memref<1000xf32, #tpu.memory_space<hbm>>
        %dma_start3A_86 = arith.constant 0 : i32
        %dma_start3A_87 = tpu.memref_slice %arg22[%dma_start3A_86] : memref<2000xf32, #tpu.memory_space<vmem>> -> memref<1000xf32, #tpu.memory_space<vmem>>
        tpu.enqueue_dma source(%dma_start3A_87 : memref<1000xf32, #tpu.memory_space<vmem>>) target(%dma_start3A_85 : memref<1000xf32, #tpu.memory_space<hbm>>) target_semaphore(%run_scoped3A : memref<!tpu.dma_semaphore, #tpu.memory_space<semaphore_mem>>)
        %dma_wait3A = arith.constant 0 : i32
        %dma_wait3A_88 = tpu.memref_slice %arg22[%dma_wait3A] : memref<2000xf32, #tpu.memory_space<vmem>> -> memref<1000xf32, #tpu.memory_space<vmem>>
        %dma_wait3A_89 = tpu.memref_slice %arg8[%mul3A_82] : memref<10000xf32, #tpu.memory_space<hbm>> -> memref<1000xf32, #tpu.memory_space<hbm>>
        %dma_wait3A_90 = tpu.memref_slice %arg8[%mul3A_82] : memref<10000xf32, #tpu.memory_space<hbm>> -> memref<1000xf32, #tpu.memory_space<hbm>>
        %dma_wait3A_91 = arith.constant 0 : i32
        %dma_wait3A_92 = tpu.memref_slice %arg22[%dma_wait3A_91] : memref<2000xf32, #tpu.memory_space<vmem>> -> memref<1000xf32, #tpu.memory_space<vmem>>
        tpu.wait_dma2 semaphore(%run_scoped3A : memref<!tpu.dma_semaphore, #tpu.memory_space<semaphore_mem>>) src(%dma_wait3A_92 : memref<1000xf32, #tpu.memory_space<vmem>>) dst(%dma_wait3A_90 : memref<1000xf32, #tpu.memory_space<hbm>>)
        tpu.yield
      }) : () -> ()
    } else {
    }
    return
  }
}

module attributes {stable_mosaic.version = 14 : i64} {
  func.func @body(%arg0: i32, %arg1: memref<2048xi32, #tpu.memory_space<vmem>>, %arg2: memref<128x128xf32, #tpu.memory_space<vmem>>, %arg3: memref<2048x128xf32, #tpu.memory_space<vmem>>) attributes {dimension_semantics = [#tpu.dimension_semantics<arbitrary>], iteration_bounds = array<i64: 5>, scalar_prefetch = 0 : i64, scratch_operands = 0 : i64, tpu.core_type = #tpu.core_type<tc>, window_params = [{transform_indices = @transform_0, window_bounds = array<i64: 2048>}, {pipeline_mode = #tpu.pipeline_mode<synchronous>, transform_indices = @transform_1, window_bounds = array<i64: 128, 128>}, {transform_indices = @transform_2, window_bounds = array<i64: 2048, 128>}]} {
    %get3A = arith.constant 0 : index
    %get3A_0 = vector.load %arg1[%get3A] : memref<2048xi32, #tpu.memory_space<vmem>>, vector<2048xi32>
    %reshape3A = vector.shape_cast %get3A_0 : vector<2048xi32> to vector<1x2048xi32>
    %iota3A = tpu.iota {dimensions = array<i32: 0>} : vector<128x2048xi32>
    %eq3A = vector.broadcast %reshape3A : vector<1x2048xi32> to vector<128x2048xi32>
    %eq3A_1 = arith.cmpi eq, %iota3A, %eq3A : vector<128x2048xi32>
    %jit3A = arith.constant 1.000000e+00 : f32
    %jit3A_2 = arith.constant 0.000000e+00 : f32
    %broadcast_in_dim3A = vector.broadcast %jit3A : f32 to vector<128x2048xf32>
    %broadcast_in_dim3A_3 = vector.broadcast %jit3A_2 : f32 to vector<128x2048xf32>
    %select_n3A = arith.select %eq3A_1, %broadcast_in_dim3A, %broadcast_in_dim3A_3 : vector<128x2048xi1>, vector<128x2048xf32>
    %get3A_4 = arith.constant 0 : index
    %get3A_5 = arith.constant 0 : index
    %get3A_6 = vector.load %arg2[%get3A_4, %get3A_5] : memref<128x128xf32, #tpu.memory_space<vmem>>, vector<128x128xf32>
    %dot_general3A = arith.constant dense<0.000000e+00> : vector<2048x128xf32>
    %dot_general3A_7 = tpu.matmul %select_n3A, %get3A_6, %dot_general3A {dimension_numbers = #tpu.dot_dimension_numbers<[0], [0], [1], [1], [0, 1, 1, 1], [], []>, transpose_lhs_hint = false} : vector<128x2048xf32>, vector<128x128xf32>, vector<2048x128xf32> -> vector<2048x128xf32>
    %swap3A = arith.constant 0 : index
    %swap3A_8 = arith.constant 0 : index
    %swap3A_9 = vector.load %arg3[%swap3A, %swap3A_8] : memref<2048x128xf32, #tpu.memory_space<vmem>>, vector<2048x128xf32>
    tpu.vector_store %arg3[%swap3A, %swap3A_8], %dot_general3A_7 {strides = array<i32>} : memref<2048x128xf32, #tpu.memory_space<vmem>>, vector<2048x128xf32>,
    return
  }
  func.func @transform_0(%arg0: i32) -> i32 {
    %c0_i32 = arith.constant 0 : i32
    return %arg0 : i32
  }
  func.func @transform_1(%arg0: i32) -> (i32, i32) {
    %c0_i32 = arith.constant 0 : i32
    %c0_i32_0 = arith.constant 0 : i32
    %c0_i32_1 = arith.constant 0 : i32
    return %c0_i32, %c0_i32_0 : i32, i32
  }
  func.func @transform_2(%arg0: i32) -> (i32, i32) {
    %c0_i32 = arith.constant 0 : i32
    %c0_i32_0 = arith.constant 0 : i32
    return %arg0, %c0_i32 : i32, i32
  }
}

module attributes {stable_mosaic.version = 14 : i64} {
  func.func @body(%arg0: i32, %arg1: memref<8192xi32, #tpu.memory_space<vmem>>, %arg2: memref<8192xi32, #tpu.memory_space<vmem>>, %arg3: memref<128x256xf32, #tpu.memory_space<vmem>>, %arg4: memref<8192x128xf32, #tpu.memory_space<vmem>>, %arg5: memref<8192x128xf32, #tpu.memory_space<vmem>>) attributes {dimension_semantics = [#tpu.dimension_semantics<arbitrary>], iteration_bounds = array<i64: 40>, scalar_prefetch = 0 : i64, scratch_operands = 0 : i64, tpu.core_type = #tpu.core_type<tc>, window_params = [{transform_indices = @transform_0, window_bounds = array<i64: 8192>}, {transform_indices = @transform_1, window_bounds = array<i64: 8192>}, {pipeline_mode = #tpu.pipeline_mode<synchronous>, transform_indices = @transform_2, window_bounds = array<i64: 128, 256>}, {transform_indices = @transform_3, window_bounds = array<i64: 8192, 128>}, {transform_indices = @transform_4, window_bounds = array<i64: 8192, 128>}]} {
    %get3A = arith.constant 0 : index
    %get3A_0 = vector.load %arg1[%get3A] : memref<8192xi32, #tpu.memory_space<vmem>>, vector<8192xi32>
    %reshape3A = vector.shape_cast %get3A_0 : vector<8192xi32> to vector<1x8192xi32>
    %get3A_1 = arith.constant 0 : index
    %get3A_2 = vector.load %arg2[%get3A_1] : memref<8192xi32, #tpu.memory_space<vmem>>, vector<8192xi32>
    %reshape3A_3 = vector.shape_cast %get3A_2 : vector<8192xi32> to vector<1x8192xi32>
    %iota3A = tpu.iota {dimensions = array<i32: 0>} : vector<128x8192xi32>
    %eq3A = vector.broadcast %reshape3A : vector<1x8192xi32> to vector<128x8192xi32>
    %eq3A_4 = arith.cmpi eq, %iota3A, %eq3A : vector<128x8192xi32>
    %add3A = arith.constant 64 : i32
    %add3A_5 = vector.broadcast %add3A : i32 to vector<1x8192xi32>
    %add3A_6 = arith.addi %reshape3A_3, %add3A_5 : vector<1x8192xi32>
    %eq3A_7 = vector.broadcast %add3A_6 : vector<1x8192xi32> to vector<128x8192xi32>
    %eq3A_8 = arith.cmpi eq, %iota3A, %eq3A_7 : vector<128x8192xi32>
    %or3A = arith.ori %eq3A_4, %eq3A_8 : vector<128x8192xi1>
    %jit3A = arith.constant 1.000000e+00 : f32
    %jit3A_9 = arith.constant 0.000000e+00 : f32
    %broadcast_in_dim3A = vector.broadcast %jit3A : f32 to vector<128x8192xf32>
    %broadcast_in_dim3A_10 = vector.broadcast %jit3A_9 : f32 to vector<128x8192xf32>
    %select_n3A = arith.select %or3A, %broadcast_in_dim3A, %broadcast_in_dim3A_10 : vector<128x8192xi1>, vector<128x8192xf32>
    %get3A_11 = arith.constant 0 : index
    %get3A_12 = arith.constant 0 : index
    %get3A_13 = vector.load %arg3[%get3A_11, %get3A_12] : memref<128x256xf32, #tpu.memory_space<vmem>>, vector<128x256xf32>
    %dot_general3A = arith.constant dense<0.000000e+00> : vector<8192x256xf32>
    %dot_general3A_14 = tpu.matmul %select_n3A, %get3A_13, %dot_general3A {dimension_numbers = #tpu.dot_dimension_numbers<[0], [0], [1], [1], [0, 1, 1, 1], [], []>, transpose_lhs_hint = false} : vector<128x8192xf32>, vector<128x256xf32>, vector<8192x256xf32> -> vector<8192x256xf32>
    %slice3A = vector.extract_strided_slice %dot_general3A_14 {offsets = [0, 0], sizes = [8192, 128], strides = [1, 1]} : vector<8192x256xf32> to vector<8192x128xf32>
    %swap3A = arith.constant 0 : index
    %swap3A_15 = arith.constant 0 : index
    %swap3A_16 = vector.load %arg4[%swap3A, %swap3A_15] : memref<8192x128xf32, #tpu.memory_space<vmem>>, vector<8192x128xf32>
    tpu.vector_store %arg4[%swap3A, %swap3A_15], %slice3A {strides = array<i32>} : memref<8192x128xf32, #tpu.memory_space<vmem>>, vector<8192x128xf32>,
    %slice3A_17 = vector.extract_strided_slice %dot_general3A_14 {offsets = [0, 128], sizes = [8192, 128], strides = [1, 1]} : vector<8192x256xf32> to vector<8192x128xf32>
    %swap3A_18 = arith.constant 0 : index
    %swap3A_19 = arith.constant 0 : index
    %swap3A_20 = vector.load %arg5[%swap3A_18, %swap3A_19] : memref<8192x128xf32, #tpu.memory_space<vmem>>, vector<8192x128xf32>
    tpu.vector_store %arg5[%swap3A_18, %swap3A_19], %slice3A_17 {strides = array<i32>} : memref<8192x128xf32, #tpu.memory_space<vmem>>, vector<8192x128xf32>,
    return
  }
  func.func @transform_0(%arg0: i32) -> i32 {
    %c0_i32 = arith.constant 0 : i32
    return %arg0 : i32
  }
  func.func @transform_1(%arg0: i32) -> i32 {
    %c0_i32 = arith.constant 0 : i32
    return %arg0 : i32
  }
  func.func @transform_2(%arg0: i32) -> (i32, i32) {
    %c0_i32 = arith.constant 0 : i32
    %c0_i32_0 = arith.constant 0 : i32
    %c0_i32_1 = arith.constant 0 : i32
    return %c0_i32, %c0_i32_0 : i32, i32
  }
  func.func @transform_3(%arg0: i32) -> (i32, i32) {
    %c0_i32 = arith.constant 0 : i32
    %c0_i32_0 = arith.constant 0 : i32
    return %arg0, %c0_i32 : i32, i32
  }
  func.func @transform_4(%arg0: i32) -> (i32, i32) {
    %c0_i32 = arith.constant 0 : i32
    %c0_i32_0 = arith.constant 0 : i32
    return %arg0, %c0_i32 : i32, i32
  }
}

</mosaic_0001>

<sc_bundles>
// kernel: kernel.5.cloned.1.call-start
scs
__scs_entry_jumppad:
0x0: {  	(pc) =	sbr.rel $0x88, $3  }
0x1: {  	(tag) =	ssettag $0x0;
	lr =	simm.s32 $0x1  }
0x2: {  	[smem:$0x3F99] =	sst lr;
	_ =	strace $0xD0000000  }
0x3: {  	_ = 	snop  }
0x4: {  	_ = 	snop  }
0x5: {  	_ = 	snop  }
0x6: {  	_ = 	snop  }
0x7: {  	_ = 	snop  }
__scs_overlays_trampoline_lowered:
0x8: {  	[smem:$0x3FA8] =	sst s0  }
0x9: {  	[smem:$0x3FA9] =	sst s1  }
0xa: {  	[smem:$0x3FAA] =	sst s2  }
0xb: {  	[smem:$0x3FAB] =	sst s3  }
0xc: {  	[smem:$0x3FAC] =	sst s4  }
0xd: {  	[smem:$0x3FAD] =	sst s5  }
0xe: {  	[smem:$0x3FAE] =	sst s6  }
0xf: {  	[smem:$0x3FAF] =	sst s7  }
0x10: {  	[smem:$0x3FB0] =	sst s8  }
0x11: {  	[smem:$0x3FB1] =	sst s9;
	s0 =	simm.s32 @!p0 $0x0  }
0x12: {  	s1 =	sld [smem:$0x3F97];
	s0 =	simm.s32 @p0 $0x1  }
0x13: {  	[smem:$0x3FB2] =	sst s0;
	s0 =	simm.s32 @!p1 $0x0  }
0x14: {  	s2 =	sld [smem:$0x3F96];
	s0 =	simm.s32 @p1 $0x1  }
0x15: {  	[smem:$0x3FB3] =	sst s0;
	s0 =	simm.s32 @!p2 $0x0  }
0x16: {  	s3 =	sld [smem:$0x3FDB];
	s0 =	simm.s32 @p2 $0x1  }
0x17: {  	s4 =	simm.s32 $0x1BF5;
	[smem:$0x3FB5] =	sst s0  }
0x18: {  	s0 =	sld [smem:$0x3F98];
	_ =	swait.ge [sflag:s4], $0x0  }
0x19: {  	s7 =	sld [smem:$0x3F99]  }
0x1a: {  	s8 =	sadd.s32 $0xFFFFE003, lr  }
0x1b: {  	s9 =	sadd.s32 $0xFFFFFEF7, lr;
	s5 =	simm.s32 $0xFFFFFFFF;
	p2 =	slt.u32 s8, $0xFFFFF086  }
0x1c: {  	p1 =	slt.u32 s9, $0xF7A;
	s5 =	simm.s32 @!p2 $0x0  }
0x1d: {  	s5 =	simm.s32 @p1 $0x1;
	p0 =	seq.s32 s7, s2  }
0x1e: {  	s7 =	smul.u32 @!p0 $0xF7A, s2;
	p2 =	seq.s32 @!p0 s5, $0x0  }
0x1f: {  	s9 =	smul.u32 $0xF7A, s1;
	s8 =	simm.s32 @!p0 $0x1BF5;
	p2 =	por !p2, p0  }
0x20: {  	[sflag:s8] =	ssyncset.s32 @!p0 $0xFFFFF086;
	s6 =	sadd.s32 @!p0 s3, s7;
	s7 =	simm.s32 @!p0 $0x108  }
0x21: {  	s3 =	sadd.s32 s3, s9;
	s6 =	sadd.s32 @!p0 $0x88, s6;
	s7 =	simm.s32 @p2 $0x1082  }
0x22: {  	[simem:s7], [sflag:s8] =	dma.local @!p0 [hbm:s6], $0xF7A  }
0x23: {  	s9 =	sor.u32 $0xD0000000, s2;
	s6 =	simm.s32 $0x108;
	_ =	swait.ge @!p0 [sflag:s8], $0x0  }
0x24: {  	s3 =	sadd.s32 $0x88, s3;
	s6 =	simm.s32 @!p1 $0x1082;
	[sflag:s4] =	ssyncset.s32 $0xFFFFF086  }
0x25: {  	[simem:s6], [sflag:s4] =	dma.local [hbm:s3], $0xF7A  }
0x26: {  	[smem:$0x3F99] =	sst s1;
	(tag) =	ssettag s2;
	_ =	strace s9  }
0x27: {  	s1 =	sld [smem:$0x3FA9]  }
0x28: {  	s2 =	sld [smem:$0x3FAA]  }
0x29: {  	s4 =	sld [smem:$0x3FAC]  }
0x2a: {  	p0 =	seq.s32 s5, $0x0;
	s5 =	sld [smem:$0x3FAD]  }
0x2b: {  	s6 =	sld [smem:$0x3FAE]  }
0x2c: {  	s7 =	sld [smem:$0x3FAF]  }
0x2d: {  	s3 =	simm.s32 $0x108;
	s8 =	sld [smem:$0x3FB0]  }
0x2e: {  	s3 =	simm.s32 @!p0 $0x1082;
	s9 =	sld [smem:$0x3FB1]  }
0x2f: {  	lr =	sadd.s32 s0, s3;
	s0 =	sld [smem:$0x3FA8]  }
0x30: {  	s3 =	sld [smem:$0x3FAB]  }
0x31: {  	[smem:$0x3FB4] =	sst s10  }
0x32: {  	s10 =	sld [smem:$0x3FB2];
	_ =	sdelay $0x3  }
0x33: {  	p0 =	seq.s32 s10, $0x1;
	s10 =	sld [smem:$0x3FB4];
	_ =	sdelay $0x3  }
0x34: {  	[smem:$0x3FB4] =	sst s10  }
0x35: {  	s10 =	sld [smem:$0x3FB3];
	_ =	sdelay $0x3  }
0x36: {  	p1 =	seq.s32 s10, $0x1;
	s10 =	sld [smem:$0x3FB4];
	_ =	sdelay $0x3  }
0x37: {  	[smem:$0x3FB4] =	sst s10  }
0x38: {  	s10 =	sld [smem:$0x3FB5]  }
0x39: {  	_ = 	snop;
	(pc) =	sbr.ind lr, $3  }
0x3a: {  	_ = 	snop  }
0x3b: {  	_ = 	snop  }
0x3c: {  	p2 =	seq.s32 s10, $0x1;
	s10 =	sld [smem:$0x3FB4]  }
0x3d: {  	_ =	shalt  }
0x3e: {  	_ =	shalt  }
0x3f: {  	_ =	shalt  }
0x40: {  	_ =	shalt  }
0x41: {  	_ =	shalt  }
0x42: {  	_ =	shalt  }
0x43: {  	_ =	shalt  }
0x44: {  	_ =	shalt  }
0x45: {  	_ =	shalt  }
0x46: {  	_ =	shalt  }
0x47: {  	_ =	shalt  }
0x48: {  	_ =	shalt  }
0x49: {  	_ =	shalt  }
0x4a: {  	_ =	shalt  }
0x4b: {  	_ =	shalt  }
0x4c: {  	_ =	shalt  }
0x4d: {  	_ =	shalt  }
0x4e: {  	_ =	shalt  }
0x4f: {  	_ =	shalt  }
0x50: {  	_ =	shalt  }
0x51: {  	_ =	shalt  }
0x52: {  	_ =	shalt  }
0x53: {  	_ =	shalt  }
0x54: {  	_ =	shalt  }
0x55: {  	_ =	shalt  }
0x56: {  	_ =	shalt  }
0x57: {  	_ =	shalt  }
0x58: {  	_ =	shalt  }
0x59: {  	_ =	shalt  }
0x5a: {  	_ =	shalt  }
0x5b: {  	_ =	shalt  }
0x5c: {  	_ =	shalt  }
0x5d: {  	_ =	shalt  }
0x5e: {  	_ =	shalt  }
0x5f: {  	_ =	shalt  }
0x60: {  	_ =	shalt  }
0x61: {  	_ =	shalt  }
0x62: {  	_ =	shalt  }
0x63: {  	_ =	shalt  }
0x64: {  	_ =	shalt  }
0x65: {  	_ =	shalt  }
0x66: {  	_ =	shalt  }
0x67: {  	_ =	shalt  }
0x68: {  	_ =	shalt  }
0x69: {  	_ =	shalt  }
0x6a: {  	_ =	shalt  }
0x6b: {  	_ =	shalt  }
0x6c: {  	_ =	shalt  }
0x6d: {  	_ =	shalt  }
0x6e: {  	_ =	shalt  }
0x6f: {  	_ =	shalt  }
0x70: {  	_ =	shalt  }
0x71: {  	_ =	shalt  }
0x72: {  	_ =	shalt  }
0x73: {  	_ =	shalt  }
0x74: {  	_ =	shalt  }
0x75: {  	_ =	shalt  }
0x76: {  	_ =	shalt  }
0x77: {  	_ =	shalt  }
0x78: {  	_ =	shalt  }
0x79: {  	_ =	shalt  }
0x7a: {  	_ =	shalt  }
0x7b: {  	_ =	shalt  }
0x7c: {  	_ =	shalt  }
0x7d: {  	_ =	shalt  }
0x7e: {  	_ =	shalt  }
0x7f: {  	_ =	shalt  }
0x80: {  	_ =	shalt  }
0x81: {  	_ =	shalt  }
0x82: {  	_ =	shalt  }
0x83: {  	_ =	shalt  }
0x84: {  	_ =	shalt  }
0x85: {  	_ =	shalt  }
0x86: {  	_ =	shalt  }
0x87: {  	_ =	shalt  }
.Lfunc_end0:
.L_simem_size_0:
called_computation_lowered:
.L_overlay_start_0:
0x88: {  	s2 =	sld [smem:$0x3FD9]  }
0x89: {  	s3 =	sld [smem:$0x3FFE];
	_ =	sdelay $0x1  }
0x8a: {  	s1 =	srdreg.scid  }
0x8b: {  	s0 =	sand.u32 $0x1, s1  }
0x8c: {  	s14 =	sshll.u32 s0, $0xA;
	s2 =	sadd.s32 s3, s2  }
0x8d: {  	s2 =	sadd.s32 s2, s14  }
0x8e: {  	[smem:$0x3FC0] =	sst s2  }
0x8f: {  	_ = 	snop  }
0x90: {  	s2 =	sld [smem:$0x3FD0];
	_ =	sdelay $0x2  }
0x91: {  	s15 =	simm.s32 $0xA;
	s4 =	simm.s32 $0x10  }
0x92: {  	[smem:s4], [sflag:s15] =	dma.local [hbm:s2], $0x1  }
0x93: {  	_ =	swait.eq [sflag:s15], $0x1  }
0x94: {  	[sflag:s15] =	ssyncset.done $0x0  }
0x95: {  	s16 =	sld [smem:$0x13];
	[sflag:s15] =	ssyncadd.s32 $0xFFFFFFFF  }
0x96: {  	s17 =	sld [smem:$0x14];
	(tm) =	ssettm $0x1  }
0x97: {  	s18 =	sld [smem:$0x3FFB];
	_ =	sdelay $0x3  }
0x98: {  	_ =	strace s18  }
0x99: {  	s4 =	sld [smem:$0x3FFC];
	_ =	sdelay $0x3  }
0x9a: {  	_ =	strace s4  }
0x9b: {  	s4 =	sld [smem:$0x3FFD];
	_ =	sdelay $0x3  }
0x9c: {  	_ =	strace s4  }
0x9d: {  	_ =	strace $0x8FFFFFFF  }
0x9e: {  	s19 =	sld [smem:$0x3FDB];
	_ =	sdelay $0x1  }
0x9f: {  	s5 =	simm.s32 $_scs_section_size  }
0xa0: {  	s6 =	simm.s32 $_size__tile_overlayer_lowered;
	s7 =	simm.s32 $_tile_overlayer_lowered  }
0xa1: {  	s22 =	simm.s32 $0x1BFF;
	s21 =	sshll.u32 s7, $0x1;
	s4 =	sadd.s32 s5, s19  }
0xa2: {  	s8 =	simm.s32 $0x0;
	s20 =	sshll.u32 s6, $0x1;
	s6 =	sadd.s32 s21, s4  }
0xa3: {  	[timem:s8], [sflag:s22] =	dma.local [hbm:s6], s20  }
0xa4: {  	_ =	swait.ge [sflag:s22], s20  }
0xa5: {  	s5 =	ssub.s32 $0x0, s20;
	[sflag:s22] =	ssyncset.done $0x0  }
0xa6: {  	[sflag:s22] =	ssyncadd.s32 s5;
	_ =	sdelay $0x1  }
0xa7: {  	s23 =	simm.s32 $0x1B8B  }
0xa8: {  	_ =	swait.ge [sflag:s23], $0x1  }
0xa9: {  	[sflag:s23] =	ssyncset.done $0x0  }
0xaa: {  	s25 =	simm.s32 $0x1B8E;
	s24 =	sld [smem:$0x3FFE];
	[sflag:s23] =	ssyncadd.s32 $0xFFFFFFFF  }
0xab: {  	s26 =	simm.s32 $execute0_lowered;
	[smem:$0x3FD2] =	sst s25  }
0xac: {  	s6 =	sshll.u32 s26, $0x1;
	_ =	strace $0x80000046;
	[dreg:$0x1] =	wrdreg $0xFFFFFFFF  }
0xad: {  	s28 =	simm.s32 $_size_execute0_lowered;
	s4 =	sadd.s32 s4, s6;
	[dreg:$0x0] =	wrdreg $0x0  }
0xae: {  	s6 =	sshll.u32 s28, $0x1;
	[dreg:$0x2] =	wrdreg s4  }
0xaf: {  	[dreg:$0x3] =	wrdreg s6  }
0xb0: {  	[dreg:$0x4] =	wrdreg $0xC0  }
0xb1: {  	_ =	task [dreg:s8], $0x5FFFF  }
0xb2: {  	[dreg:$0x1] =	wrdreg $0xFFFFFFFF  }
0xb3: {  	[dreg:$0x0] =	wrdreg $0x60  }
0xb4: {  	[dreg:$0x2] =	wrdreg s24  }
0xb5: {  	[dreg:$0x3] =	wrdreg s17  }
0xb6: {  	[dreg:$0x4] =	wrdreg s16  }
0xb7: {  	[dreg:$0x5] =	wrdreg $0x1CE000  }
0xb8: {  	[dreg:$0x6] =	wrdreg $0x9  }
0xb9: {  	_ =	task.clear_ibuf [dreg:s8], $0x7FFFF;
	_ =	strace $0x90000046  }
0xba: {  	s29 =	simm.s32 $0x9;
	_ =	strace $0x80000048  }
0xbb: {  	_ =	swait.ge [sflag:s29], $0x1  }
0xbc: {  	[sflag:s29] =	ssyncadd.s32 $0xFFFFFFFF  }
0xbd: {  	_ =	strace $0x90000048  }
0xbe: {  	_ =	sfence  }
0xbf: {  	s30 =	sld [smem:$0x0];
	_ =	sdelay $0x2  }
0xc0: {  	s31 =	sshll.u32 s1, $0xD;
	s1 =	sshrl.u32 s1, $0x2  }
0xc1: {  	s3 =	sand.u32 $0x4000, s31;
	s1 =	sadd.s32 s1, s30  }
0xc2: {  	s0 =	sor.u32 s3, s0;
	s1 =	sshll.u32 s1, $0x11  }
0xc3: {  	s0 =	sor.u32 s1, s0  }
0xc4: {  	s0 =	sadd.s32 $0x8F2B, s0  }
0xc5: {  	[sflag:s0] =	ssyncadd.remote.s32 $0x1  }
0xc6: {  	_ =	sfence.sel $0xFFFF  }
0xc7: {  	[dreg:$0x0] =	wrdreg $0xFFFFFFFF;
	(pc) =	sbr.abs _section_cstart, $3  }
0xc8: {  	[dreg:$0x1] =	wrdreg $0xFFFFFFFF  }
0xc9: {  	_ =	task.clear_ibuf [dreg:s8], $0x2FFFF;
	_ =	strace $0x9FFFFFFF  }
0xca: {  	(tm) =	ssettm $0x7FFFFFFF  }
0xcb: {  	_ =	shalt  }
tec
execute0_lowered:
.L_overlay_start_1:
0x0: {  	(tag) =	ssettag $0x1  }
0x1: {  	s0 =	rddreg [dreg:$0x0]  }
0x2: {  	s5 =	rddreg [dreg:$0x1]  }
0x3: {  	s13 =	rddreg [dreg:$0x2]  }
0x4: {  	s1 =	rddreg [dreg:$0x3]  }
0x5: {  	s2 =	simm.s32 $0x0;
	s7 =	srdreg.scid;
	s25 =	stileid.u32  }
0x6: {  	s28 =	simm.s32 $0x1C580;
	s29 =	simm.s32 $0x3;
	s30 =	simm.s32 $0x1  }
0x7: {  	s31 =	simm.s32 $0x0;
	[smem:$0x7FF] =	sst s2;
	s3 =	sadd.s32 $0x14E00, s0  }
0x8: {  	s4 =	sadd.s32 $0x14800, s0;
	s6 =	sadd.s32 $0x14200, s0;
	s8 =	smul.u32 $0x32A0, s25  }
0x9: {  	s9 =	sadd.s32 $0x600, s0;
	s10 =	sadd.s32 $0xA400, s0;
	s18 =	smul.u32 $0xFFFFFF60, s25  }
0xa: {  	s14 =	sand.u32 $0x1, s7;
	s15 =	sadd.s32 $0x15400, s0;
	s20 =	smul.u32 $0x370, s25  }
0xb: {  	s16 =	sadd.s32 $0x1F200, s0;
	s0 =	sadd.s32 $0x29000, s0;
	s24 =	smul.u32 $0x1F40, s25  }
0xc: {  	s12 =	smul.u32 $0xA00, s25;
	p6 =	slt.u32 s25, $0xA;
	p2 =	sgt.u32 s25, $0x4  }
0xd: {  	_ =	strace $0x80000047;
	s7 =	ssub.s32 $0x2, s14;
	p0 =	seq.s32 s14, $0x0  }
0xe: {  	p3 =	sne.s32 s14, $0x0;
	s11 =	sshrl.u32 s7, $0x1;
	s23 =	sshrl.u32 s8, $0x3  }
0xf: {  	p1 =	slt.s32 s18, $0xFFFFF6DC;
	s21 =	sshrl.u32 s24, $0x2;
	s24 =	sadd.s32 s16, s20  }
0x10: {  	s17 =	ssub.s32 s7, s11;
	s19 =	sadd.s32 $0x3700, s23;
	s18 =	simm.s32 @!p1 $0xFFFFF6DC  }
0x11: {  	s11 =	sadd.s32 s5, s12;
	s12 =	sadd.s32 s21, s1;
	s23 =	smul.u32 $0x3E8, s25  }
0x12: {  	[dreg:$0x9] =	wrdreg s24;
	p1 =	por !p0, !p6;
	s24 =	simm.s32 $0x4F00  }
0x13: {  	s25 =	simm.s32 $0x2;
	s7 =	sadd.s32 s9, s19;
	s26 =	sadd.s32 s15, s19  }
0x14: {  	s8 =	sadd.s32 s10, s19;
	s21 =	sadd.s32 s16, s19;
	[dreg:$0x5] =	wrdreg s26  }
0x15: {  	s9 =	sadd.s32 s9, s20;
	s22 =	sadd.s32 s0, s19;
	[dreg:$0x6] =	wrdreg s21  }
0x16: {  	s10 =	sadd.s32 s10, s20;
	s15 =	sadd.s32 s15, s20;
	[dreg:$0x7] =	wrdreg s22  }
.Ltmp0:
0x17: {  	s0 =	sadd.s32 s0, s20;
	[dreg:$0x8] =	wrdreg s15;
	(pc) =	sbr.rel .LBB2_1-.Ltmp0, $4  }
0x18: {  	p1 =	por !p1, !p1;
	s20 =	simm.s32 $0xDC80;
	[dreg:$0xa] =	wrdreg s0  }
0x19: {  	s26 =	sshrl.u32 s23, $0x3;
	s5 =	sadd.s32 s23, s1;
	s21 =	smax.u32 s17, $0x1  }
0x1a: {  	s22 =	sadd.s32 $0x9C4, s18;
	[dreg:$0xb] =	wrdreg s5;
	s0 =	sadd.s32 s13, s26  }
0x1b: {  	v0 =	vimm.f32 $0.0e+00;
	s23 =	simm.s32 $0x2780;
	s26 =	simm.s32 $0x80;
	[dreg:$0xc] =	wrdreg s0  }
.LBB2_14:
0x1c: {  	s31 =	sadd.s32 $0x1, s31  }
0x1d: {  	p4 =	sne.s32 s31, s21  }
.Ltmp1:
0x1e: {  	_ = 	snop;
	(pc) =	sbr.rel @!p4 .LBB2_15-.Ltmp1, $1  }
0x1f: {  	_ =	sdelay $0x3  }
.LBB2_1:
0x20: {  	[tilespmem:s2], [sflag:$0x1] =	stream.linear.gather [hbm4b:s3+s2], $0x2780, $0x38;
	[tilespmem:$0x1D078] =	vst v63  }
0x21: {  	_ = 	snop  }
0x22: {  	[tilespmem:s23], [sflag:$0x1] =	stream.linear.gather [hbm4b:s4+s2], $0x2780, $0x38;
	[tilespmem:$0x1D078] =	vst v63  }
0x23: {  	_ = 	snop  }
0x24: {  	[tilespmem:s24], [sflag:$0x1] =	stream.linear.gather [hbm4b:s6+s2], $0x2780, $0x38;
	[tilespmem:$0x1D078] =	vst v63  }
0x25: {  	s0 =	simm.s32 @p0 $0x0;
	s5 =	simm.s32 @p0 $0x7680  }
0x26: {  	[tilespmem:s5], [sflag:$0x1] =	stream.linear.gather @p0 [hbm4b:s9+s0], $0x1B80, $0x38;
	[tilespmem:$0x1D078] =	vst v63  }
0x27: {  	s5 =	simm.s32 @p0 $0xA980  }
0x28: {  	[tilespmem:s5], [sflag:$0x1] =	stream.linear.gather @p0 [hbm4b:s10+s0], $0x1B80, $0x38;
	[tilespmem:$0x1D078] =	vst v63  }
0x29: {  	s5 =	simm.s32 @p0 $0x17580  }
0x2a: {  	[tilespmem:s5], [sflag:$0x2] =	stream.linear.gather @p0 [hbm4b:s11+s0], $0x5000, $0x38;
	[tilespmem:$0x1D078] =	vst v63  }
0x2b: {  	s0 =	simm.s32 @!p0 $0x0;
	s5 =	simm.s32 @!p0 $0x7680  }
0x2c: {  	[tilespmem:s5], [sflag:$0x1] =	stream.linear.gather @!p0 [hbm4b:s7+s0], $0x32A0, $0x38;
	[tilespmem:$0x1D078] =	vst v63  }
0x2d: {  	s5 =	simm.s32 @!p0 $0xA980  }
0x2e: {  	[tilespmem:s5], [sflag:$0x1] =	stream.linear.gather @!p0 [hbm4b:s8+s0], $0x32A0, $0x38;
	[tilespmem:$0x1D078] =	vst v63  }
0x2f: {  	s0 =	simm.s32 $0x40;
	s5 =	simm.s32 $0x0  }
.LBB2_2:
0x30: {  	p4 =	sne.s32 s0, $0x1F00;
	[tilespmem:s5+$0x1C600] =	vst v0;
	s5 =	smov.u32 s0;
	s0 =	sadd.s32 $0x40, s0  }
.Ltmp2:
0x31: {  	(pc) =	sbr.rel @p4 .LBB2_2-.Ltmp2, $2  }
0x32: {  	_ =	sdelay $0x2  }
0x33: {  	s5 =	sshra.s32 s5, $0x2  }
0x34: {  	[tilespmem:s5+$0x1C600] =	vst v0;
	v63 =	vimm.f32 $1.000000000e+00  }
0x35: {  	[tilespmem:$0x1C580] =	vst v63  }
0x36: {  	[tilespmem:$0x1C590] =	vst v63  }
0x37: {  	[tilespmem:$0x1C5A0] =	vst v63  }
0x38: {  	[tilespmem:$0x1C5B0] =	vst v63  }
0x39: {  	[tilespmem:$0x1C5C0] =	vst v63  }
0x3a: {  	[tilespmem:$0x1C5D0] =	vst v63  }
0x3b: {  	[tilespmem:$0x1C5E0] =	vst v63  }
0x3c: {  	s0 =	simm.s32 @!p2 $0x1C600;
	[tilespmem:$0x1C5F0] =	vst v63  }
0x3d: {  	[spmem:s12] =	stream.linear.scatter @!p2 [tilespmem:s0], [sflag:$0x3], $0x7D0, $0x38;
	[tilespmem:$0x1D078] =	vst v63  }
0x3e: {  	s0 =	simm.s32 @!p2 $0x3  }
.Ltmp3:
0x3f: {  	_ =	swait.ge @!p2 [sflag:s0], $0x7D0;
	(pc) =	sbr.rel @p3 .LBB2_9-.Ltmp3, $3  }
0x40: {  	[sflag:s0] =	ssyncset.done @!p2 $0x0  }
0x41: {  	[sflag:s0] =	ssyncadd.s32 @!p2 $0xFFFFF830  }
0x42: {  	[bflag:$0x0] =	sbarrier.arrive $0xFFFF;
	_ =	sdelay $0x1  }
0x43: {  	_ =	swait.ge [sflag:s25], $0x5000;
	p4 =	sne.s32 s22, $0x1  }
.Ltmp4:
0x44: {  	[sflag:s25] =	ssyncset.done $0x0;
	(pc) =	sbr.rel @!p4 .LBB2_6-.Ltmp4, $4  }
0x45: {  	s0 =	simm.s32 $0x17580;
	[sflag:s25] =	ssyncadd.s32 $0xFFFFB000  }
0x46: {  	[spmem:s1] =	stream.indirect.scatter.add.f32 [tilespmem:s28], [sflag:$0x3], $0x1, s0, s26, $0xb8;
	[tilespmem:$0x1D078] =	vst v63  }
0x47: {  	_ =	swait.ge [sflag:s29], $0x80  }
0x48: {  	s5 =	sadd.s32 $0xFFFFFFFF, s22;
	[sflag:s29] =	ssyncset.done $0x0  }
.LBB2_5:
0x49: {  	p4 =	sne.s32 s5, $0x1;
	[sflag:s29] =	ssyncadd.s32 $0xFFFFFF80;
	s0 =	sadd.s32 $0x80, s0  }
.Ltmp5:
0x4a: {  	s5 =	sadd.s32 $0xFFFFFFFF, s5;
	(pc) =	sbr.rel @p4 .LBB2_5-.Ltmp5, $4  }
0x4b: {  	_ = 	snop  }
0x4c: {  	[spmem:s1] =	stream.indirect.scatter.add.f32 [tilespmem:s28], [sflag:$0x3], $0x1, s0, s26, $0xb8;
	[tilespmem:$0x1D078] =	vst v63  }
0x4d: {  	_ =	swait.ge [sflag:s29], $0x80  }
0x4e: {  	[sflag:s29] =	ssyncset.done $0x0  }
.LBB2_6:
0x4f: {  	[sflag:s29] =	ssyncadd.s32 $0xFFFFFF80  }
0x50: {  	_ =	swait.ge [sflag:s30], $0x2780  }
0x51: {  	[sflag:s30] =	ssyncset.done $0x0  }
0x52: {  	[sflag:s30] =	ssyncadd.s32 $0xFFFFD880  }
0x53: {  	_ =	swait.ge [sflag:s30], $0x2780  }
0x54: {  	[sflag:s30] =	ssyncset.done $0x0  }
0x55: {  	[sflag:s30] =	ssyncadd.s32 $0xFFFFD880  }
0x56: {  	_ =	swait.ge [sflag:s30], $0x2780  }
0x57: {  	[sflag:s30] =	ssyncset.done $0x0  }
0x58: {  	[sflag:s30] =	ssyncadd.s32 $0xFFFFD880  }
0x59: {  	_ =	swait.ge [sflag:s30], $0x1B80  }
0x5a: {  	[sflag:s30] =	ssyncset.done $0x0  }
0x5b: {  	[sflag:s30] =	ssyncadd.s32 $0xFFFFE480  }
0x5c: {  	_ =	swait.ge [sflag:s30], $0x1B80  }
0x5d: {  	[sflag:s30] =	ssyncset.done $0x0  }
0x5e: {  	s0 =	simm.s32 $0x76C0;
	[sflag:s30] =	ssyncadd.s32 $0xFFFFE480  }
0x5f: {  	v2 =	vld [tilespmem:s0+$0x30]  }
0x60: {  	s5 =	simm.s32 $0xA9C0;
	v3 =	vld [tilespmem:s0+$0xFFFFFFD0]  }
0x61: {  	v4 =	vld [tilespmem:s5+$0x30]  }
0x62: {  	v5 =	vld [tilespmem:s5+$0xFFFFFFC0]  }
0x63: {  	v6 =	vld [tilespmem:s5+$0xFFFFFFD0]  }
0x64: {  	v7 =	vld [tilespmem:s0+$0xFFFFFFE0]  }
0x65: {  	v8 =	vld [tilespmem:s5+$0xFFFFFFE0]  }
0x66: {  	v9 =	vld [tilespmem:s0+$0xFFFFFFF0]  }
0x67: {  	v24 =	vld [tilespmem:s5+$0xFFFFFFF0]  }
0x68: {  	v26 =	vld [tilespmem:s0+$0x0]  }
0x69: {  	v27 =	vld [tilespmem:s5+$0x0]  }
0x6a: {  	v28 =	vld [tilespmem:s0+$0x10]  }
0x6b: {  	v32 =	vld [tilespmem:s5+$0x10]  }
0x6c: {  	v33 =	vld [tilespmem:s0+$0x20]  }
0x6d: {  	v34 =	vld [tilespmem:s5+$0x20]  }
0x6e: {  	v15 =	vld [tilespmem:s0+$0xFFFFFFC0]  }
0x6f: {  	v10 =	vld.idx.msk [tilespmem:v2+s2+$0x0], $0xffff  }
0x70: {  	v11 =	vld.idx.msk [tilespmem:v2+s23+$0x0], $0xffff  }
0x71: {  	v12 =	vld.idx.msk [tilespmem:v4+s2+$0x0], $0xffff  }
0x72: {  	v13 =	vld.idx.msk [tilespmem:v4+s23+$0x0], $0xffff  }
0x73: {  	v2 =	vld.idx.msk [tilespmem:v2+s24+$0x0], $0xffff  }
0x74: {  	v4 =	vld.idx.msk [tilespmem:v4+s24+$0x0], $0xffff  }
0x75: {  	v16 =	vld.idx.msk [tilespmem:v5+s23+$0x0], $0xffff  }
0x76: {  	v14 =	vld.idx.msk [tilespmem:v3+s23+$0x0], $0xffff  }
0x77: {  	v18 =	vld.idx.msk [tilespmem:v6+s2+$0x0], $0xffff  }
0x78: {  	v19 =	vld.idx.msk [tilespmem:v6+s23+$0x0], $0xffff  }
0x79: {  	v21 =	vld.idx.msk [tilespmem:v7+s2+$0x0], $0xffff  }
0x7a: {  	v22 =	vld.idx.msk [tilespmem:v15+s2+$0x0], $0xffff  }
0x7b: {  	v23 =	vld.idx.msk [tilespmem:v15+s23+$0x0], $0xffff;
	v12 =	vsub.f32 v12, v10;
	v31 =	vsub.f32 v13, v11  }
0x7c: {  	v25 =	vld.idx.msk [tilespmem:v7+s23+$0x0], $0xffff  }
0x7d: {  	v29 =	vld.idx.msk [tilespmem:v8+s2+$0x0], $0xffff;
	v2 =	vsub.f32 v4, v2;
	v4 =	vmul.f32 v12, v12;
	v10 =	vmul.f32 v31, v31  }
0x7e: {  	v30 =	vld.idx.msk [tilespmem:v8+s23+$0x0], $0xffff  }
0x7f: {  	v35 =	vld.idx.msk [tilespmem:v9+s23+$0x0], $0xffff;
	v4 =	vadd.f32 v10, v4;
	v10 =	vmul.f32 v2, v2  }
0x80: {  	v37 =	vld.idx.msk [tilespmem:v24+s2+$0x0], $0xffff  }
0x81: {  	v38 =	vld.idx.msk [tilespmem:v24+s23+$0x0], $0xffff;
	v4 =	vadd.f32 v10, v4  }
0x82: {  	v39 =	vld.idx.msk [tilespmem:v26+s2+$0x0], $0xffff  }
0x83: {  	v40 =	vld.idx.msk [tilespmem:v26+s23+$0x0], $0xffff;
	v13 =	vshra.s32 v4, $0x1;
	v17 =	vmul.f32 $5.000000000e-01, v4  }
0x84: {  	v10 =	vld.idx.msk [tilespmem:v3+s2+$0x0], $0xffff;
	v13 =	vsub.s32 $0x5F3759DF, v13  }
0x85: {  	v41 =	vld.idx.msk [tilespmem:v27+s2+$0x0], $0xffff;
	v20 =	vmul.f32 v13, v17  }
0x86: {  	v11 =	vld.idx.msk [tilespmem:v5+s2+$0x0], $0xffff  }
0x87: {  	v42 =	vld.idx.msk [tilespmem:v27+s23+$0x0], $0xffff;
	v20 =	vmul.f32 v13, v20  }
0x88: {  	v43 =	vld.idx.msk [tilespmem:v28+s2+$0x0], $0xffff  }
0x89: {  	v44 =	vld.idx.msk [tilespmem:v28+s23+$0x0], $0xffff;
	v1 =	vsub.f32 v18, v10;
	v20 =	vsub.f32 $1.500000000e+00, v20  }
0x8a: {  	v45 =	vld.idx.msk [tilespmem:v32+s2+$0x0], $0xffff;
	v0 =	vsub.f32 v19, v14  }
0x8b: {  	v10 =	vsub.f32 v11, v22;
	v13 =	vmul.f32 v13, v20;
	v20 =	vld.idx.msk [tilespmem:v9+s2+$0x0], $0xffff;
	[tilespmem:$0x1FFB0] =	vst v1  }
0x8c: {  	v60 =	vsub.f32 v16, v23;
	v18 =	vld.idx.msk [tilespmem:v32+s23+$0x0], $0xffff;
	[tilespmem:$0x1FFC0] =	vst v0  }
0x8d: {  	[tilespmem:$0x1FF90] =	vst v10  }
0x8e: {  	v46 =	vld.idx.msk [tilespmem:v33+s2+$0x0], $0xffff;
	[tilespmem:$0x1FFA0] =	vst v60  }
0x8f: {  	v23 =	vmul.f32 v60, v60;
	v47 =	vld.idx.msk [tilespmem:v33+s23+$0x0], $0xffff  }
0x90: {  	v61 =	vsub.f32 v30, v25;
	v22 =	vmul.f32 v10, v10;
	v36 =	vmul.f32 v13, v17;
	v48 =	vld.idx.msk [tilespmem:v34+s2+$0x0], $0xffff  }
0x91: {  	v21 =	vsub.f32 v29, v21;
	v49 =	vld.idx.msk [tilespmem:v34+s23+$0x0], $0xffff  }
0x92: {  	v51 =	vadd.f32 v23, v22;
	v29 =	vld.idx.msk [tilespmem:v15+s24+$0x0], $0xffff;
	[tilespmem:$0x1FFD0] =	vst v61;
	v36 =	vmul.f32 v36, v13  }
0x93: {  	v22 =	vsub.f32 v38, v35;
	v5 =	vld.idx.msk [tilespmem:v5+s24+$0x0], $0xffff;
	v23 =	vsub.f32 v37, v20  }
0x94: {  	v3 =	vld.idx.msk [tilespmem:v3+s24+$0x0], $0xffff;
	v36 =	vsub.f32 $1.500000000e+00, v36  }
0x95: {  	v30 =	vmul.f32 v22, v22;
	v6 =	vld.idx.msk [tilespmem:v6+s24+$0x0], $0xffff;
	v25 =	vmul.f32 v23, v23  }
0x96: {  	v36 =	vmul.f32 v36, v13  }
0x97: {  	v7 =	vld.idx.msk [tilespmem:v7+s24+$0x0], $0xffff;
	v63 =	vadd.f32 v30, v25  }
0x98: {  	v8 =	vld.idx.msk [tilespmem:v8+s24+$0x0], $0xffff;
	v25 =	vsub.f32 v45, v43;
	v45 =	vsub.f32 v48, v46;
	v17 =	vmul.f32 v36, v17  }
0x99: {  	v19 =	vmul.f32 v1, v1;
	v9 =	vld.idx.msk [tilespmem:v9+s24+$0x0], $0xffff;
	v18 =	vsub.f32 v18, v44;
	v47 =	vsub.f32 v49, v47  }
0x9a: {  	v30 =	vsub.f32 v5, v29;
	v29 =	vsub.f32 v6, v3;
	[tilespmem:$0x1FFE0] =	vst v45;
	v17 =	vmul.f32 v17, v36  }
0x9b: {  	v3 =	vmul.f32 v47, v47;
	v46 =	vmul.f32 v25, v25;
	v24 =	vld.idx.msk [tilespmem:v24+s24+$0x0], $0xffff;
	[tilespmem:$0x1FFF0] =	vst v47  }
0x9c: {  	v48 =	vmul.f32 v45, v45;
	v5 =	vld.idx.msk [tilespmem:v26+s24+$0x0], $0xffff;
	v26 =	vmul.f32 v18, v18;
	v16 =	vsub.f32 $1.500000000e+00, v17  }
0x9d: {  	v20 =	vsub.f32 v41, v39;
	v49 =	vld.idx.msk [tilespmem:v28+s24+$0x0], $0xffff;
	v28 =	vsub.f32 v8, v7;
	v17 =	vmul.f32 v0, v0  }
0x9e: {  	v6 =	vld.idx.msk [tilespmem:v27+s24+$0x0], $0xffff;
	v39 =	vadd.f32 v3, v48;
	v38 =	vadd.f32 v26, v46;
	v36 =	vmul.f32 v16, v36  }
0x9f: {  	v7 =	vld.idx.msk [tilespmem:v32+s24+$0x0], $0xffff;
	v50 =	vadd.f32 v17, v19;
	v17 =	vmul.f32 v21, v21;
	v19 =	vmul.f32 v61, v61  }
0xa0: {  	v26 =	vmul.f32 v29, v29;
	v27 =	vsub.f32 v24, v9;
	v4 =	vmul.f32 v36, v4  }
0xa1: {  	v8 =	vld.idx.msk [tilespmem:v33+s24+$0x0], $0xffff;
	v62 =	vadd.f32 v19, v17;
	v19 =	vsub.f32 v42, v40  }
0xa2: {  	v9 =	vld.idx.msk [tilespmem:v34+s24+$0x0], $0xffff;
	v15 =	vadd.f32 v26, v50;
	v4 =	vadd.f32 $9.999999930e-09, v4  }
0xa3: {  	v26 =	vsub.f32 v6, v5;
	v6 =	vmul.f32 v27, v27;
	v43 =	vmul.f32 v19, v19  }
0xa4: {  	v24 =	vsub.f32 v7, v49;
	(erf) = vrcp.f32 v4;
	v4 =	vmul.f32 v20, v20  }
0xa5: {  	v55 =	vshra.s32 v15, $0x1;
	v56 =	vmul.f32 v26, v26;
	v11 =	vadd.f32 v6, v63  }
0xa6: {  	v6 =	vmul.f32 v24, v24;
	v37 =	vadd.f32 v43, v4;
	v4 =	vmul.f32 v30, v30  }
0xa7: {  	v41 =	vmul.f32 $5.000000000e-01, v15;
	v58 =	vsub.f32 v9, v8;
	v36 =	vshra.s32 v11, $0x1  }
0xa8: {  	v9 =	vadd.f32 v6, v38;
	v43 =	vmul.f32 $5.000000000e-01, v11;
	v16 =	vadd.f32 v4, v51  }
0xa9: {  	v59 =	vmul.f32 v58, v58;
	v51 =	vmul.f32 v28, v28;
	v10 =	vadd.f32 v56, v37  }
0xaa: {  	v36 =	vsub.s32 $0x5F3759DF, v36;
	v50 =	vmul.f32 $5.000000000e-01, v9;
	v52 =	vshra.s32 v16, $0x1  }
0xab: {  	v34 =	vmul.f32 $5.000000000e-01, v16;
	v14 =	vadd.f32 v51, v62;
	v60 =	vshra.s32 v10, $0x1  }
0xac: {  	v49 =	vmul.f32 $5.000000000e-01, v10;
	v62 =	vshra.s32 v9, $0x1;
	v33 =	vsub.s32 $0x5F3759DF, v52  }
0xad: {  	v0 =	vsub.s32 $0x5F3759DF, v60;
	v37 =	vsub.s32 $0x5F3759DF, v62;
	v35 =	vmul.f32 $5.000000000e-01, v14  }
0xae: {  	[tilespmem:$0x1FF40] =	vst v58;
	v57 =	vshra.s32 v14, $0x1;
	v1 =	vmul.f32 v33, v34;
	v58 =	vmul.f32 v0, v49  }
0xaf: {  	v52 =	vmul.f32 v37, v50;
	v53 =	vpop (erf);
	v63 =	vsub.s32 $0x5F3759DF, v57;
	v57 =	vmul.f32 v36, v43  }
0xb0: {  	v61 =	vsub.s32 $0x5F3759DF, v55;
	v54 =	vmul.f32 v53, v12;
	v32 =	vmul.f32 v53, v31  }
0xb1: {  	v31 =	vmul.f32 v53, v2;
	v2 =	vmul.f32 v61, v41  }
0xb2: {  	v12 =	vadd.f32 v59, v39;
	v56 =	vmul.f32 v63, v35;
	v42 =	vmul.f32 v33, v1  }
0xb3: {  	v48 =	vmul.f32 v0, v58;
	v52 =	vmul.f32 v37, v52  }
0xb4: {  	v47 =	vmul.f32 v36, v57;
	v51 =	vmul.f32 $5.000000000e-01, v12  }
0xb5: {  	v55 =	vshra.s32 v12, $0x1;
	v44 =	vmul.f32 v61, v2;
	v46 =	vmul.f32 v63, v56  }
0xb6: {  	v42 =	vsub.f32 $1.500000000e+00, v42;
	v45 =	vsub.s32 $0x5F3759DF, v55;
	v60 =	vsub.f32 $1.500000000e+00, v47  }
0xb7: {  	s19 =	simm.s32 $0x7740;
	[tilespmem:$0x1FF80] =	vst v54;
	v62 =	vsub.f32 $1.500000000e+00, v52;
	v53 =	vmul.f32 v45, v51;
	v44 =	vsub.f32 $1.500000000e+00, v44  }
0xb8: {  	v47 =	vld [tilespmem:s19+$0x30];
	v42 =	vmul.f32 v33, v42;
	v59 =	vsub.f32 $1.500000000e+00, v46;
	v36 =	vmul.f32 v36, v60  }
0xb9: {  	s0 =	simm.s32 $0xAA40;
	v38 =	vld [tilespmem:s19+$0xFFFFFFD0];
	v53 =	vmul.f32 v45, v53;
	v44 =	vmul.f32 v61, v44  }
0xba: {  	v46 =	vld [tilespmem:s0+$0x30];
	v61 =	vsub.f32 $1.500000000e+00, v48;
	v52 =	vmul.f32 v63, v59;
	v48 =	vmul.f32 v37, v62  }
0xbb: {  	v40 =	vld [tilespmem:s0+$0xFFFFFFC0];
	v54 =	vmul.f32 v42, v34;
	v57 =	vmul.f32 v36, v43  }
0xbc: {  	v39 =	vld [tilespmem:s0+$0xFFFFFFD0];
	v63 =	vsub.f32 $1.500000000e+00, v53;
	v53 =	vmul.f32 v0, v61;
	v55 =	vmul.f32 v44, v41  }
0xbd: {  	v17 =	vld [tilespmem:s19+$0xFFFFFFC0];
	v56 =	vmul.f32 v52, v35;
	v59 =	vmul.f32 v48, v50  }
0xbe: {  	v33 =	vld [tilespmem:s0+$0xFFFFFFE0];
	v54 =	vmul.f32 v54, v42;
	v57 =	vmul.f32 v57, v36  }
0xbf: {  	v37 =	vld [tilespmem:s19+$0xFFFFFFE0];
	v45 =	vmul.f32 v45, v63;
	v58 =	vmul.f32 v53, v49  }
0xc0: {  	v55 =	vmul.f32 v55, v44;
	v56 =	vmul.f32 v56, v52;
	v61 =	vld.idx.msk [tilespmem:v47+s2+$0x0], $0xffff  }
0xc1: {  	v54 =	vsub.f32 $1.500000000e+00, v54;
	v59 =	vmul.f32 v59, v48;
	v62 =	vld.idx.msk [tilespmem:v47+s23+$0x0], $0xffff;
	v60 =	vmul.f32 v45, v51  }
0xc2: {  	v58 =	vmul.f32 v58, v53;
	v63 =	vld.idx.msk [tilespmem:v46+s2+$0x0], $0xffff;
	v55 =	vsub.f32 $1.500000000e+00, v55;
	v56 =	vsub.f32 $1.500000000e+00, v56  }
0xc3: {  	v1 =	vld.idx.msk [tilespmem:v46+s23+$0x0], $0xffff;
	v54 =	vmul.f32 v54, v42;
	v42 =	vsub.f32 $1.500000000e+00, v57;
	v2 =	vsub.f32 $1.500000000e+00, v59  }
0xc4: {  	v60 =	vmul.f32 v60, v45;
	v0 =	vsub.f32 $1.500000000e+00, v58;
	v58 =	vld.idx.msk [tilespmem:v47+s24+$0x0], $0xffff;
	v55 =	vmul.f32 v55, v44  }
0xc5: {  	v52 =	vmul.f32 v56, v52;
	v56 =	vld.idx.msk [tilespmem:v46+s24+$0x0], $0xffff;
	v57 =	vmul.f32 v2, v48  }
0xc6: {  	v7 =	vld.idx.msk [tilespmem:v38+s2+$0x0], $0xffff;
	v59 =	vmul.f32 v42, v36;
	v42 =	vmul.f32 v54, v34  }
0xc7: {  	v6 =	vld.idx.msk [tilespmem:v38+s23+$0x0], $0xffff;
	v53 =	vmul.f32 v0, v53;
	v50 =	vmul.f32 v57, v50  }
0xc8: {  	v3 =	vld.idx.msk [tilespmem:v39+s2+$0x0], $0xffff;
	v36 =	vsub.f32 v63, v61;
	v34 =	vsub.f32 v1, v62;
	v1 =	vmul.f32 v55, v41  }
0xc9: {  	v4 =	vld.idx.msk [tilespmem:v39+s23+$0x0], $0xffff;
	v60 =	vsub.f32 $1.500000000e+00, v60;
	v61 =	vmul.f32 v52, v35;
	v62 =	vmul.f32 v59, v43  }
0xca: {  	v47 =	vld [tilespmem:s19+$0xFFFFFFF0];
	v35 =	vsub.f32 v56, v58;
	v56 =	vmul.f32 v36, v36;
	v58 =	vmul.f32 v34, v34  }
0xcb: {  	v48 =	vld [tilespmem:s0+$0xFFFFFFF0];
	v63 =	vmul.f32 v42, v54;
	v60 =	vmul.f32 v60, v45  }
0xcc: {  	v46 =	vld [tilespmem:s19+$0x0];
	v49 =	vmul.f32 v53, v49;
	v56 =	vadd.f32 v58, v56;
	v58 =	vmul.f32 v35, v35  }
0xcd: {  	v44 =	vld [tilespmem:s0+$0x0];
	v50 =	vmul.f32 v50, v57;
	v1 =	vmul.f32 v1, v55  }
0xce: {  	v41 =	vld [tilespmem:s0+$0x10];
	v63 =	vsub.f32 $1.500000000e+00, v63;
	v62 =	vmul.f32 v62, v59;
	v56 =	vadd.f32 v58, v56  }
0xcf: {  	v42 =	vld [tilespmem:s19+$0x20];
	v51 =	vmul.f32 v60, v51;
	v49 =	vmul.f32 v49, v53;
	v1 =	vsub.f32 $1.500000000e+00, v1  }
0xd0: {  	v43 =	vld [tilespmem:s0+$0x20];
	v54 =	vmul.f32 v63, v54;
	v2 =	vshra.s32 v56, $0x1;
	v8 =	vmul.f32 $5.000000000e-01, v56  }
0xd1: {  	v45 =	vld [tilespmem:s19+$0x10];
	v62 =	vsub.f32 $1.500000000e+00, v62;
	v5 =	vmul.f32 v1, v55;
	v55 =	vsub.s32 $0x5F3759DF, v2  }
0xd2: {  	v63 =	vld.idx.msk [tilespmem:v40+s23+$0x0], $0xffff;
	v51 =	vmul.f32 v51, v60;
	v1 =	vmul.f32 v55, v8  }
0xd3: {  	v49 =	vsub.f32 $1.500000000e+00, v49;
	v58 =	vmul.f32 v61, v52;
	v61 =	vld.idx.msk [tilespmem:v40+s2+$0x0], $0xffff;
	v62 =	vmul.f32 v62, v59  }
0xd4: {  	v59 =	vld.idx.msk [tilespmem:v37+s2+$0x0], $0xffff;
	v16 =	vmul.f32 v54, v16;
	v51 =	vsub.f32 $1.500000000e+00, v51;
	v1 =	vmul.f32 v55, v1  }
0xd5: {  	v54 =	vld.idx.msk [tilespmem:v17+s23+$0x0], $0xffff;
	v49 =	vmul.f32 v49, v53;
	v58 =	vsub.f32 $1.500000000e+00, v58;
	v15 =	vmul.f32 v5, v15  }
0xd6: {  	v53 =	vld.idx.msk [tilespmem:v17+s2+$0x0], $0xffff;
	v11 =	vmul.f32 v62, v11;
	v16 =	vadd.f32 $9.999999930e-09, v16;
	v1 =	vsub.f32 $1.500000000e+00, v1  }
0xd7: {  	v51 =	vmul.f32 v51, v60;
	v10 =	vmul.f32 v49, v10;
	v49 =	vld.idx.msk [tilespmem:v33+s23+$0x0], $0xffff;
	v60 =	vsub.f32 v3, v7  }
0xd8: {  	v5 =	vsub.f32 v4, v6;
	v52 =	vmul.f32 v58, v52;
	v58 =	vld.idx.msk [tilespmem:v47+s2+$0x0], $0xffff;
	v1 =	vmul.f32 v55, v1  }
0xd9: {  	v6 =	vadd.f32 $9.999999930e-09, v15;
	(erf) = vrcp.f32 v16;
	v15 =	vld.idx.msk [tilespmem:v47+s23+$0x0], $0xffff;
	v16 =	vmul.f32 v60, v60  }
0xda: {  	v14 =	vmul.f32 v52, v14;
	v52 =	vld.idx.msk [tilespmem:v33+s2+$0x0], $0xffff;
	v62 =	vmul.f32 v1, v8  }
0xdb: {  	v50 =	vsub.f32 $1.500000000e+00, v50;
	v2 =	vsub.f32 v61, v53;
	v61 =	vmul.f32 v5, v5;
	v55 =	vld.idx.msk [tilespmem:v37+s23+$0x0], $0xffff;
	[tilespmem:$0x1FF50] =	vst v60  }
0xdc: {  	v12 =	vmul.f32 v51, v12;
	v51 =	vld.idx.msk [tilespmem:v48+s23+$0x0], $0xffff;
	v7 =	vmul.f32 v62, v1  }
0xdd: {  	v50 =	vmul.f32 v50, v57;
	v53 =	vadd.f32 v61, v16;
	v16 =	vld.idx.msk [tilespmem:v46+s2+$0x0], $0xffff  }
0xde: {  	v62 =	vld.idx.msk [tilespmem:v48+s2+$0x0], $0xffff;
	[tilespmem:$0x1FF60] =	vst v2;
	v7 =	vsub.f32 $1.500000000e+00, v7  }
0xdf: {  	v50 =	vmul.f32 v50, v9;
	v9 =	vsub.f32 v63, v54;
	v14 =	vadd.f32 $9.999999930e-09, v14;
	v54 =	vld.idx.msk [tilespmem:v46+s23+$0x0], $0xffff  }
0xe0: {  	(erf) = vrcp.f32 v6;
	v60 =	vsub.f32 v52, v59;
	v59 =	vld.idx.msk [tilespmem:v44+s2+$0x0], $0xffff;
	v1 =	vmul.f32 v7, v1  }
0xe1: {  	v11 =	vadd.f32 $9.999999930e-09, v11;
	v61 =	vmul.f32 v2, v2;
	(erf) = vrcp.f32 v14;
	v13 =	vld.idx.msk [tilespmem:v45+s2+$0x0], $0xffff  }
0xe2: {  	v10 =	vadd.f32 $9.999999930e-09, v10;
	v14 =	vmul.f32 v9, v9;
	v52 =	vld.idx.msk [tilespmem:v45+s23+$0x0], $0xffff;
	v8 =	vmul.f32 v1, v8  }
0xe3: {  	(erf) = vrcp.f32 v11;
	v11 =	vadd.f32 $9.999999930e-09, v50;
	v7 =	vsub.f32 v49, v55;
	v49 =	vld.idx.msk [tilespmem:v44+s23+$0x0], $0xffff  }
0xe4: {  	(erf) = vrcp.f32 v10;
	[tilespmem:$0x1FF70] =	vst v60;
	v10 =	vmul.f32 v8, v1;
	v8 =	vsub.f32 v62, v58;
	v62 =	vld [tilespmem:$0x1FF80]  }
0xe5: {  	v12 =	vadd.f32 $9.999999930e-09, v12;
	v57 =	vld.idx.msk [tilespmem:v41+s2+$0x0], $0xffff  }
0xe6: {  	v50 =	vadd.f32 v14, v61;
	(erf) = vrcp.f32 v11;
	v61 =	vld.idx.msk [tilespmem:v41+s23+$0x0], $0xffff  }
0xe7: {  	v11 =	vpop (erf);
	(erf) = vrcp.f32 v12;
	v12 =	vsub.f32 v51, v15;
	v15 =	vld.idx.msk [tilespmem:v42+s2+$0x0], $0xffff  }
0xe8: {  	s16 =	simm.s32 $0xDCC0;
	v55 =	vmul.f32 v60, v60;
	v14 =	vld.idx.msk [tilespmem:v43+s23+$0x0], $0xffff;
	v60 =	vsub.f32 $1.500000000e+00, v10  }
0xe9: {  	v37 =	vld.idx.msk [tilespmem:v37+s24+$0x0], $0xffff;
	[tilespmem:s16+$0x30] =	vst v62  }
0xea: {  	v1 =	vmul.f32 v60, v1;
	v0 =	vld [tilespmem:$0x1FF90]  }
0xeb: {  	v63 =	vld [tilespmem:$0x1FFA0]  }
0xec: {  	v1 =	vmul.f32 v1, v56;
	v56 =	vld [tilespmem:$0x1FFB0]  }
0xed: {  	v46 =	vld.idx.msk [tilespmem:v46+s24+$0x0], $0xffff  }
0xee: {  	v30 =	vmul.f32 v11, v30;
	v58 =	vmul.f32 v7, v7;
	v13 =	vsub.f32 v57, v13;
	v57 =	vld [tilespmem:$0x1FFC0]  }
0xef: {  	v10 =	vsub.f32 v59, v16;
	v59 =	vld.idx.msk [tilespmem:v42+s23+$0x0], $0xffff;
	v16 =	vmul.f32 v8, v8;
	v51 =	vmul.f32 v11, v0  }
0xf0: {  	v60 =	vld.idx.msk [tilespmem:v43+s2+$0x0], $0xffff;
	v62 =	vmul.f32 v11, v63;
	v11 =	vsub.f32 v49, v54;
	v49 =	vmul.f32 v12, v12;
	v54 =	vpop (erf)  }
0xf1: {  	v55 =	vadd.f32 v58, v55;
	v58 =	vld.idx.msk [tilespmem:v17+s24+$0x0], $0xffff;
	v56 =	vmul.f32 v54, v56  }
0xf2: {  	v17 =	vld.idx.msk [tilespmem:v40+s24+$0x0], $0xffff;
	v49 =	vadd.f32 v49, v16;
	v16 =	vmul.f32 v10, v10;
	v63 =	vmul.f32 v11, v11  }
0xf3: {  	s17 =	simm.s32 $0x10FC0;
	v41 =	vld.idx.msk [tilespmem:v41+s24+$0x0], $0xffff;
	v1 =	vadd.f32 $9.999999930e-09, v1;
	v57 =	vmul.f32 v54, v57;
	v29 =	vmul.f32 v54, v29;
	v40 =	vpop (erf)  }
0xf4: {  	s5 =	simm.s32 $0x142C0;
	[tilespmem:s17+$0x30] =	vst v32;
	v54 =	vmul.f32 v40, v21;
	v32 =	vadd.f32 v63, v16;
	v16 =	vsub.f32 v61, v52  }
0xf5: {  	v15 =	vsub.f32 v60, v15;
	v61 =	vld [tilespmem:$0x1FFD0];
	[tilespmem:s5+$0x30] =	vst v31;
	v31 =	vpop (erf);
	(erf) = vrcp.f32 v1;
	v63 =	vmul.f32 v13, v13  }
0xf6: {  	v14 =	vsub.f32 v14, v59;
	v52 =	vmul.f32 v31, v23;
	v23 =	vld.idx.msk [tilespmem:v33+s24+$0x0], $0xffff;
	v60 =	vmul.f32 v16, v16  }
0xf7: {  	v59 =	vmul.f32 v31, v22;
	v33 =	vld.idx.msk [tilespmem:v47+s24+$0x0], $0xffff;
	v22 =	vsub.f32 v17, v58;
	v17 =	vmul.f32 v15, v15  }
0xf8: {  	v47 =	vmul.f32 v31, v27;
	v27 =	vmul.f32 v14, v14;
	v1 =	vadd.f32 v60, v63;
	v63 =	vld [tilespmem:$0x1FFE0];
	[tilespmem:s16+$0xFFFFFFC0] =	vst v51  }
0xf9: {  	v21 =	vld.idx.msk [tilespmem:v38+s24+$0x0], $0xffff;
	[tilespmem:s16+$0xFFFFFFD0] =	vst v56  }
0xfa: {  	v31 =	vld.idx.msk [tilespmem:v48+s24+$0x0], $0xffff;
	v60 =	vadd.f32 v27, v17;
	[tilespmem:s16+$0xFFFFFFE0] =	vst v54;
	v38 =	vmul.f32 v40, v61;
	v61 =	vpop (erf)  }
0xfb: {  	[tilespmem:s16+$0xFFFFFFF0] =	vst v52;
	v40 =	vmul.f32 v40, v28;
	v28 =	vld.idx.msk [tilespmem:v39+s24+$0x0], $0xffff;
	v48 =	vmul.f32 v61, v20  }
0xfc: {  	[tilespmem:s17+$0xFFFFFFC0] =	vst v62;
	v20 =	vmul.f32 v22, v22;
	v58 =	vmul.f32 v61, v19;
	v17 =	vpop (erf);
	v19 =	vld.idx.msk [tilespmem:v44+s24+$0x0], $0xffff  }
0xfd: {  	[tilespmem:s17+$0xFFFFFFD0] =	vst v57;
	v39 =	vmul.f32 v61, v26;
	v44 =	vld.idx.msk [tilespmem:v45+s24+$0x0], $0xffff;
	v25 =	vmul.f32 v17, v25  }
0xfe: {  	v26 =	vadd.f32 v20, v50;
	v20 =	vsub.f32 v23, v37;
	v23 =	vpop (erf);
	v50 =	vmul.f32 v17, v24;
	v24 =	vld.idx.msk [tilespmem:v42+s24+$0x0], $0xffff  }
0xff: {  	v37 =	vmul.f32 v17, v18;
	v18 =	vsub.f32 v31, v33;
	v31 =	vld.idx.msk [tilespmem:v43+s24+$0x0], $0xffff;
	v42 =	vmul.f32 v23, v63  }
0x100: {  	[tilespmem:s17+$0xFFFFFFF0] =	vst v59;
	v0 =	vpop (erf);
	v21 =	vsub.f32 v28, v21;
	v17 =	vmul.f32 v20, v20;
	v33 =	vmul.f32 $5.000000000e-01, v26  }
0x101: {  	[tilespmem:s17+$0xFFFFFFE0] =	vst v38;
	v43 =	vshra.s32 v26, $0x1;
	v2 =	vmul.f32 v18, v18;
	v36 =	vmul.f32 v0, v36  }
0x102: {  	[tilespmem:s5+$0xFFFFFFE0] =	vst v40;
	v56 =	vmul.f32 v0, v35;
	v19 =	vsub.f32 v19, v46;
	v40 =	vsub.s32 $0x5F3759DF, v43  }
0x103: {  	[tilespmem:s5+$0xFFFFFFC0] =	vst v30;
	v27 =	vmul.f32 v21, v21;
	v28 =	vadd.f32 v17, v55;
	v17 =	vsub.f32 v41, v44  }
0x104: {  	[tilespmem:s5+$0xFFFFFFD0] =	vst v29;
	v30 =	vadd.f32 v2, v49;
	v62 =	vmul.f32 v19, v19;
	v24 =	vsub.f32 v31, v24  }
0x105: {  	[tilespmem:s5+$0xFFFFFFF0] =	vst v47;
	v27 =	vadd.f32 v27, v53;
	v53 =	vmul.f32 v0, v34;
	v63 =	vshra.s32 v28, $0x1  }
0x106: {  	[tilespmem:s16+$0x0] =	vst v48;
	v55 =	vmul.f32 v17, v17;
	v41 =	vmul.f32 $5.000000000e-01, v28;
	v46 =	vshra.s32 v30, $0x1  }
0x107: {  	[tilespmem:s17+$0x0] =	vst v58;
	v35 =	vmul.f32 $5.000000000e-01, v30;
	v29 =	vadd.f32 v62, v32;
	v57 =	vmul.f32 v24, v24  }
0x108: {  	[tilespmem:s16+$0x10] =	vst v25;
	v62 =	vmul.f32 v40, v33;
	v54 =	vsub.s32 $0x5F3759DF, v46;
	v61 =	vshra.s32 v27, $0x1  }
0x109: {  	[tilespmem:s5+$0x0] =	vst v39;
	v34 =	vmul.f32 $5.000000000e-01, v27;
	v31 =	vadd.f32 v55, v1;
	v1 =	vsub.s32 $0x5F3759DF, v63  }
0x10a: {  	s14 =	simm.s32 $0xDD40;
	[tilespmem:s17+$0x10] =	vst v37;
	v38 =	vshra.s32 v29, $0x1;
	v49 =	vsub.s32 $0x5F3759DF, v61;
	v43 =	vmul.f32 $5.000000000e-01, v29  }
0x10b: {  	s15 =	simm.s32 $0x11040;
	[tilespmem:s14+$0x30] =	vst v36;
	v32 =	vadd.f32 v57, v60;
	v0 =	vmul.f32 v40, v62;
	v62 =	vmul.f32 v54, v35  }
0x10c: {  	s13 =	simm.s32 $0x14340;
	[tilespmem:s15+$0x30] =	vst v53;
	v61 =	vshra.s32 v31, $0x1;
	v44 =	vmul.f32 $5.000000000e-01, v31;
	v63 =	vmul.f32 v49, v34  }
0x10d: {  	[tilespmem:s13+$0x30] =	vst v56;
	v38 =	vsub.s32 $0x5F3759DF, v38;
	v51 =	vsub.s32 $0x5F3759DF, v61;
	v45 =	vmul.f32 $5.000000000e-01, v32  }
0x10e: {  	v59 =	vld [tilespmem:$0x1FFF0];
	v61 =	vmul.f32 v1, v41;
	v46 =	vsub.f32 $1.500000000e+00, v0;
	v58 =	vmul.f32 v54, v62  }
0x10f: {  	v2 =	vshra.s32 v32, $0x1;
	v60 =	vmul.f32 v49, v63;
	v63 =	vmul.f32 v38, v43  }
0x110: {  	v36 =	vsub.s32 $0x5F3759DF, v2;
	v2 =	vmul.f32 v51, v44;
	v47 =	vmul.f32 v40, v46  }
0x111: {  	v56 =	vmul.f32 v36, v45;
	v57 =	vmul.f32 v1, v61;
	v61 =	vsub.f32 $1.500000000e+00, v58  }
0x112: {  	v0 =	vsub.f32 $1.500000000e+00, v60;
	v25 =	vmul.f32 v38, v63;
	v40 =	vmul.f32 v51, v2  }
0x113: {  	v60 =	vmul.f32 v23, v59;
	v39 =	vsub.f32 $1.500000000e+00, v57;
	v62 =	vmul.f32 v36, v56  }
0x114: {  	[tilespmem:s5+$0x10] =	vst v50;
	v46 =	vmul.f32 v49, v0;
	v63 =	vsub.f32 $1.500000000e+00, v25;
	v40 =	vsub.f32 $1.500000000e+00, v40  }
0x115: {  	s18 =	simm.s32 $0x8;
	[tilespmem:s16+$0x20] =	vst v42;
	v25 =	vmul.f32 v54, v61;
	v49 =	vmul.f32 v1, v39  }
0x116: {  	s19 =	simm.s32 $0x77C0;
	s16 =	simm.s32 $0x11040;
	[tilespmem:s17+$0x20] =	vst v60;
	v37 =	vsub.f32 $1.500000000e+00, v62;
	s17 =	simm.s32 $0xDD40;
	v50 =	vmul.f32 v38, v63;
	v48 =	vmul.f32 v51, v40  }
.LBB2_7:
0x117: {  	v1 =	vld [tilespmem:s19+$0x30]  }
0x118: {  	s0 =	sadd.s32 $0x80, s0;
	v51 =	vmul.f32 v36, v37;
	v36 =	vld [tilespmem:s19+$0xFFFFFFD0]  }
0x119: {  	v38 =	vmul.f32 v47, v33;
	v62 =	vmul.f32 v46, v34;
	v52 =	vld [tilespmem:s0+$0x30]  }
0x11a: {  	v39 =	vmul.f32 v49, v41;
	v53 =	vmul.f32 v25, v35;
	v42 =	vld [tilespmem:s0+$0xFFFFFFC0]  }
0x11b: {  	v54 =	vmul.f32 v50, v43;
	v40 =	vld [tilespmem:s0+$0xFFFFFFD0];
	v58 =	vmul.f32 v62, v46  }
0x11c: {  	v55 =	vmul.f32 v48, v44;
	v37 =	vld [tilespmem:s19+$0xFFFFFFE0];
	v57 =	vmul.f32 v38, v47  }
0x11d: {  	v38 =	vld [tilespmem:s0+$0xFFFFFFE0];
	v56 =	vmul.f32 v51, v45;
	v59 =	vmul.f32 v39, v49;
	v58 =	vsub.f32 $1.500000000e+00, v58  }
0x11e: {  	v53 =	vmul.f32 v53, v25;
	v54 =	vmul.f32 v54, v50;
	v39 =	vld [tilespmem:s19+$0xFFFFFFF0];
	v57 =	vsub.f32 $1.500000000e+00, v57  }
0x11f: {  	v55 =	vmul.f32 v55, v48;
	v58 =	vmul.f32 v58, v46;
	v46 =	vld [tilespmem:s0+$0xFFFFFFF0]  }
0x120: {  	v59 =	vsub.f32 $1.500000000e+00, v59;
	v63 =	vsub.f32 $1.500000000e+00, v53;
	v57 =	vmul.f32 v57, v47;
	v47 =	vld [tilespmem:s19+$0x0]  }
0x121: {  	v56 =	vmul.f32 v56, v51;
	v2 =	vsub.f32 $1.500000000e+00, v54;
	v0 =	vsub.f32 $1.500000000e+00, v55;
	v60 =	vld.idx.msk [tilespmem:v1+s2+$0x0], $0xffff  }
0x122: {  	v59 =	vmul.f32 v59, v49;
	v61 =	vmul.f32 v63, v25;
	v54 =	vld.idx.msk [tilespmem:v1+s23+$0x0], $0xffff  }
0x123: {  	v55 =	vsub.f32 $1.500000000e+00, v56;
	v50 =	vmul.f32 v2, v50;
	v53 =	vmul.f32 v0, v48;
	v1 =	vld.idx.msk [tilespmem:v1+s24+$0x0], $0xffff  }
0x124: {  	v33 =	vmul.f32 v57, v33;
	v34 =	vmul.f32 v58, v34;
	v56 =	vld.idx.msk [tilespmem:v52+s2+$0x0], $0xffff  }
0x125: {  	v25 =	vld.idx.msk [tilespmem:v52+s23+$0x0], $0xffff;
	v51 =	vmul.f32 v55, v51;
	v0 =	vmul.f32 v50, v43  }
0x126: {  	v48 =	vld.idx.msk [tilespmem:v52+s24+$0x0], $0xffff;
	v41 =	vmul.f32 v59, v41;
	v2 =	vmul.f32 v61, v35  }
0x127: {  	v55 =	vmul.f32 v53, v44;
	v43 =	vld [tilespmem:s0+$0x0];
	v52 =	vmul.f32 v0, v50  }
0x128: {  	v44 =	vld [tilespmem:s19+$0x20];
	v33 =	vmul.f32 v33, v57;
	v63 =	vmul.f32 v34, v58  }
0x129: {  	v62 =	vmul.f32 v51, v45;
	v45 =	vld [tilespmem:s19+$0x10];
	v55 =	vmul.f32 v55, v53;
	v52 =	vsub.f32 $1.500000000e+00, v52  }
0x12a: {  	v49 =	vmul.f32 v2, v61;
	v0 =	vld.idx.msk [tilespmem:v42+s2+$0x0], $0xffff;
	v35 =	vsub.f32 v56, v60;
	v25 =	vsub.f32 v25, v54  }
0x12b: {  	v55 =	vsub.f32 $1.500000000e+00, v55;
	v54 =	vmul.f32 v41, v59;
	v41 =	vld [tilespmem:s0+$0x10];
	v56 =	vsub.f32 $1.500000000e+00, v33  }
0x12c: {  	v34 =	vsub.f32 v48, v1;
	v33 =	vld [tilespmem:s0+$0x20];
	v1 =	vmul.f32 v35, v35;
	v2 =	vmul.f32 v25, v25  }
0x12d: {  	v62 =	vmul.f32 v62, v51;
	v48 =	vld [tilespmem:s19+$0xFFFFFFC0];
	v50 =	vmul.f32 v52, v50  }
0x12e: {  	v52 =	vld.idx.msk [tilespmem:v40+s2+$0x0], $0xffff;
	v53 =	vmul.f32 v55, v53;
	v60 =	vmul.f32 v34, v34;
	v1 =	vadd.f32 v2, v1  }
0x12f: {  	v55 =	vld.idx.msk [tilespmem:v40+s23+$0x0], $0xffff;
	v54 =	vsub.f32 $1.500000000e+00, v54;
	v56 =	vmul.f32 v56, v57;
	v57 =	vsub.f32 $1.500000000e+00, v49  }
0x130: {  	v63 =	vsub.f32 $1.500000000e+00, v63;
	v29 =	vmul.f32 v50, v29;
	v50 =	vld.idx.msk [tilespmem:v37+s23+$0x0], $0xffff;
	v49 =	vadd.f32 v60, v1  }
0x131: {  	v2 =	vld.idx.msk [tilespmem:v42+s23+$0x0], $0xffff;
	v54 =	vmul.f32 v54, v59;
	v57 =	vmul.f32 v57, v61;
	v59 =	vsub.f32 $1.500000000e+00, v62  }
0x132: {  	v26 =	vmul.f32 v56, v26;
	v56 =	vld.idx.msk [tilespmem:v37+s2+$0x0], $0xffff;
	v61 =	vshra.s32 v49, $0x1;
	v62 =	vmul.f32 $5.000000000e-01, v49  }
0x133: {  	v1 =	vmul.f32 v63, v58;
	v58 =	vld.idx.msk [tilespmem:v36+s2+$0x0], $0xffff;
	v61 =	vsub.s32 $0x5F3759DF, v61  }
0x134: {  	v60 =	vld.idx.msk [tilespmem:v36+s23+$0x0], $0xffff;
	v51 =	vmul.f32 v59, v51;
	v63 =	vmul.f32 v61, v62  }
0x135: {  	v1 =	vmul.f32 v1, v27;
	v27 =	vmul.f32 v54, v28;
	v28 =	vld.idx.msk [tilespmem:v48+s2+$0x0], $0xffff  }
0x136: {  	v26 =	vadd.f32 $9.999999930e-09, v26;
	v30 =	vmul.f32 v57, v30;
	v57 =	vld.idx.msk [tilespmem:v48+s23+$0x0], $0xffff;
	v63 =	vmul.f32 v61, v63  }
0x137: {  	v32 =	vmul.f32 v51, v32;
	v54 =	vld.idx.msk [tilespmem:v38+s23+$0x0], $0xffff;
	v1 =	vadd.f32 $9.999999930e-09, v1  }
0x138: {  	(erf) = vrcp.f32 v26;
	v51 =	vsub.f32 v52, v58;
	v52 =	vld.idx.msk [tilespmem:v38+s2+$0x0], $0xffff;
	v59 =	vsub.f32 $1.500000000e+00, v63  }
0x139: {  	v31 =	vmul.f32 v53, v31;
	v26 =	vsub.f32 v55, v60;
	v58 =	vld.idx.msk [tilespmem:v39+s2+$0x0], $0xffff;
	(erf) = vrcp.f32 v1  }
0x13a: {  	v27 =	vadd.f32 $9.999999930e-09, v27;
	v55 =	vmul.f32 v51, v51;
	v53 =	vmul.f32 v61, v59;
	v61 =	vld [tilespmem:$0x1FF40]  }
0x13b: {  	v0 =	vsub.f32 v0, v28;
	v28 =	vmul.f32 v26, v26;
	v2 =	vsub.f32 v2, v57;
	v57 =	vld.idx.msk [tilespmem:v46+s2+$0x0], $0xffff  }
0x13c: {  	(erf) = vrcp.f32 v27;
	v27 =	vld.idx.msk [tilespmem:v47+s23+$0x0], $0xffff  }
0x13d: {  	v3 =	vmov v24;
	v24 =	vadd.f32 v28, v55;
	v55 =	vld.idx.msk [tilespmem:v46+s23+$0x0], $0xffff  }
0x13e: {  	v30 =	vadd.f32 $9.999999930e-09, v30;
	v59 =	vld.idx.msk [tilespmem:v39+s23+$0x0], $0xffff;
	[tilespmem:$0x1FF40] =	vst v3  }
0x13f: {  	v3 =	vmul.f32 v2, v2;
	v52 =	vsub.f32 v52, v56;
	v56 =	vld.idx.msk [tilespmem:v47+s2+$0x0], $0xffff;
	v1 =	vmul.f32 v23, v61  }
0x140: {  	v60 =	vmul.f32 v53, v62;
	v57 =	vsub.f32 v57, v58;
	v58 =	vld.idx.msk [tilespmem:v45+s2+$0x0], $0xffff;
	v23 =	vmul.f32 v0, v0  }
0x141: {  	v29 =	vadd.f32 $9.999999930e-09, v29;
	[tilespmem:s5+$0x20] =	vst v1;
	v1 =	vsub.f32 v54, v50;
	v50 =	vld.idx.msk [tilespmem:v43+s2+$0x0], $0xffff  }
0x142: {  	(erf) = vrcp.f32 v30;
	v28 =	vmul.f32 v60, v53;
	v30 =	vadd.f32 v3, v23;
	v3 =	vld [tilespmem:$0x1FF60]  }
0x143: {  	(erf) = vrcp.f32 v29;
	v54 =	vld.idx.msk [tilespmem:v43+s23+$0x0], $0xffff  }
0x144: {  	v28 =	vsub.f32 $1.500000000e+00, v28;
	v23 =	vmul.f32 v52, v52;
	v63 =	vld.idx.msk [tilespmem:v33+s2+$0x0], $0xffff;
	v29 =	vmul.f32 v1, v1  }
0x145: {  	v31 =	vadd.f32 $9.999999930e-09, v31;
	v6 =	vld.idx.msk [tilespmem:v33+s23+$0x0], $0xffff  }
0x146: {  	v60 =	vpop (erf);
	v53 =	vmul.f32 v28, v53;
	v28 =	vadd.f32 v29, v23;
	v29 =	vsub.f32 v55, v59;
	v59 =	vld.idx.msk [tilespmem:v41+s2+$0x0], $0xffff  }
0x147: {  	v32 =	vadd.f32 $9.999999930e-09, v32;
	(erf) = vrcp.f32 v31;
	v61 =	vmul.f32 v60, v3;
	v3 =	vmovc v0;
	v0 =	vld.idx.msk [tilespmem:v45+s23+$0x0], $0xffff  }
0x148: {  	v9 =	vmul.f32 v60, v9;
	v23 =	vmul.f32 v53, v62;
	v31 =	vsub.f32 v50, v56;
	v50 =	vld.idx.msk [tilespmem:v44+s2+$0x0], $0xffff  }
0x149: {  	(erf) = vrcp.f32 v32;
	v62 =	vpop (erf);
	[tilespmem:$0x1FF60] =	vst v3;
	v3 =	vld [tilespmem:$0x1FF50]  }
0x14a: {  	v22 =	vmul.f32 v60, v22;
	v54 =	vsub.f32 v54, v27;
	v27 =	vld.idx.msk [tilespmem:v44+s23+$0x0], $0xffff;
	v60 =	vpop (erf);
	v23 =	vmul.f32 v23, v53  }
0x14b: {  	v55 =	vmul.f32 v57, v57;
	v32 =	vmul.f32 v29, v29;
	v4 =	vpop (erf);
	[tilespmem:s14+$0xFFFFFFC0] =	vst v61;
	v61 =	vld.idx.msk [tilespmem:v41+s23+$0x0], $0xffff  }
0x14c: {  	v7 =	vmul.f32 v60, v7;
	v12 =	vmul.f32 v4, v12;
	v23 =	vsub.f32 $1.500000000e+00, v23;
	[tilespmem:s15+$0xFFFFFFC0] =	vst v9;
	v9 =	vmovc v51  }
0x14d: {  	v32 =	vadd.f32 v32, v55;
	v55 =	vmul.f32 v31, v31;
	[tilespmem:$0x1FF50] =	vst v9;
	v9 =	vmul.f32 v62, v21;
	v21 =	vld [tilespmem:$0x1FF70]  }
0x14e: {  	v36 =	vld.idx.msk [tilespmem:v36+s24+$0x0], $0xffff;
	v51 =	vsub.f32 v59, v58;
	v23 =	vmul.f32 v23, v53;
	v56 =	vmul.f32 v62, v3  }
0x14f: {  	v48 =	vld.idx.msk [tilespmem:v48+s24+$0x0], $0xffff;
	v3 =	vmul.f32 v62, v5;
	v5 =	vmul.f32 v54, v54  }
0x150: {  	v42 =	vld.idx.msk [tilespmem:v42+s24+$0x0], $0xffff;
	v53 =	vpop (erf);
	v6 =	vsub.f32 v6, v27;
	v58 =	vmul.f32 v51, v51;
	v0 =	vsub.f32 v61, v0  }
0x151: {  	v62 =	vmul.f32 v23, v49;
	v49 =	vpop (erf);
	v61 =	vmul.f32 v60, v20;
	v20 =	vld.idx.msk [tilespmem:v37+s24+$0x0], $0xffff;
	v37 =	vsub.f32 v63, v50  }
0x152: {  	v63 =	vld.idx.msk [tilespmem:v46+s24+$0x0], $0xffff;
	v55 =	vadd.f32 v5, v55;
	v46 =	vmul.f32 v49, v16;
	v21 =	vmul.f32 v60, v21  }
0x153: {  	[tilespmem:s13+$0xFFFFFFC0] =	vst v22;
	v22 =	vmul.f32 v0, v0;
	v27 =	vmul.f32 v37, v37;
	v5 =	vmov v26;
	v26 =	vld.idx.msk [tilespmem:v40+s24+$0x0], $0xffff  }
0x154: {  	v23 =	vpop (erf);
	v40 =	vadd.f32 $9.999999930e-09, v62;
	[tilespmem:s14+$0xFFFFFFD0] =	vst v56;
	v62 =	vmul.f32 v4, v8;
	v8 =	vld.idx.msk [tilespmem:v38+s24+$0x0], $0xffff;
	v4 =	vmul.f32 v4, v18  }
0x155: {  	v18 =	vmul.f32 v6, v6;
	v59 =	vmul.f32 v23, v15;
	[tilespmem:s15+$0xFFFFFFD0] =	vst v3;
	v3 =	vld.idx.msk [tilespmem:v39+s24+$0x0], $0xffff  }
0x156: {  	v38 =	vadd.f32 v22, v58;
	v39 =	vmul.f32 v53, v10;
	v10 =	vld.idx.msk [tilespmem:v47+s24+$0x0], $0xffff;
	[tilespmem:s14+$0xFFFFFFE0] =	vst v21  }
0x157: {  	v22 =	vsub.f32 v42, v48;
	v42 =	vmul.f32 v53, v19;
	v19 =	vld.idx.msk [tilespmem:v43+s24+$0x0], $0xffff;
	(erf) = vrcp.f32 v40;
	[tilespmem:s15+$0xFFFFFFE0] =	vst v7  }
0x158: {  	v58 =	vmul.f32 v49, v17;
	v40 =	vmul.f32 v53, v11;
	v11 =	vmov v52;
	v52 =	vld.idx.msk [tilespmem:v45+s24+$0x0], $0xffff;
	[tilespmem:s14+$0xFFFFFFF0] =	vst v62  }
0x159: {  	v45 =	vmul.f32 v49, v13;
	v13 =	vld.idx.msk [tilespmem:v44+s24+$0x0], $0xffff;
	[tilespmem:$0x1FF70] =	vst v11;
	v11 =	vmul.f32 v22, v22  }
0x15a: {  	[tilespmem:s13+$0xFFFFFFE0] =	vst v61;
	v61 =	vld.idx.msk [tilespmem:v33+s24+$0x0], $0xffff;
	v21 =	vsub.f32 v26, v36;
	v36 =	vadd.f32 v18, v27  }
0x15b: {  	v62 =	vmul.f32 v23, v14;
	v26 =	vadd.f32 v11, v30;
	v20 =	vsub.f32 v8, v20;
	v11 =	vld.idx.msk [tilespmem:v41+s24+$0x0], $0xffff  }
0x15c: {  	v18 =	vsub.f32 v63, v3;
	v19 =	vsub.f32 v19, v10;
	v53 =	vmul.f32 v21, v21  }
0x15d: {  	[tilespmem:s15+$0xFFFFFFF0] =	vst v12;
	v60 =	vmul.f32 v20, v20;
	v3 =	vshra.s32 v26, $0x1;
	v33 =	vmul.f32 $5.000000000e-01, v26  }
0x15e: {  	[tilespmem:s13+$0xFFFFFFF0] =	vst v4;
	v14 =	vmul.f32 v18, v18;
	v4 =	vmul.f32 v19, v19;
	v27 =	vadd.f32 v53, v24  }
0x15f: {  	v12 =	vmovc v29;
	v3 =	vsub.s32 $0x5F3759DF, v3;
	v28 =	vadd.f32 v60, v28;
	v24 =	vsub.f32 v61, v13  }
0x160: {  	v56 =	vmul.f32 v3, v33;
	v17 =	vsub.f32 v11, v52;
	v30 =	vadd.f32 v14, v32;
	v15 =	vpop (erf)  }
0x161: {  	v11 =	vmovc v54;
	v29 =	vadd.f32 v4, v55;
	v54 =	vmul.f32 v24, v24;
	v16 =	vmul.f32 v15, v35  }
0x162: {  	[tilespmem:s13+$0xFFFFFFD0] =	vst v9;
	v63 =	vshra.s32 v27, $0x1;
	v41 =	vmul.f32 v15, v25;
	v15 =	vmul.f32 v15, v34  }
0x163: {  	[tilespmem:s17+$0x10] =	vst v45;
	v34 =	vmul.f32 $5.000000000e-01, v27;
	v25 =	vshra.s32 v28, $0x1;
	v50 =	vmul.f32 v17, v17  }
0x164: {  	s5 =	smov.u32 s13;
	[tilespmem:s16+$0x10] =	vst v46;
	v52 =	vshra.s32 v30, $0x1;
	v35 =	vmul.f32 $5.000000000e-01, v30;
	v53 =	vshra.s32 v29, $0x1  }
0x165: {  	v9 =	vmovc v2;
	s14 =	sadd.s32 $0x80, s14;
	v8 =	vmovc v57;
	[tilespmem:s5+$0x10] =	vst v58;
	v4 =	vsub.s32 $0x5F3759DF, v63;
	v43 =	vmul.f32 $5.000000000e-01, v29;
	v32 =	vadd.f32 v54, v36  }
0x166: {  	s15 =	sadd.s32 $0x80, s15;
	v10 =	vmovc v31;
	v2 =	vsub.s32 $0x5F3759DF, v52;
	[tilespmem:s14+$0x30] =	vst v16;
	v31 =	vadd.f32 v50, v38;
	v57 =	vmul.f32 v4, v34  }
0x167: {  	v55 =	vsub.s32 $0x5F3759DF, v25;
	v58 =	vmul.f32 v2, v35;
	[tilespmem:s15+$0x30] =	vst v41;
	v41 =	vmul.f32 $5.000000000e-01, v28  }
0x168: {  	s13 =	sadd.s32 $0x80, s13;
	v14 =	vmovc v6;
	v25 =	vshra.s32 v32, $0x1;
	v45 =	vmul.f32 $5.000000000e-01, v32;
	v6 =	vshra.s32 v31, $0x1  }
0x169: {  	[tilespmem:s13+$0x30] =	vst v15;
	v16 =	vmovc v0;
	v15 =	vmovc v37;
	v44 =	vmul.f32 $5.000000000e-01, v31;
	v0 =	vsub.s32 $0x5F3759DF, v53;
	v37 =	vmul.f32 v3, v56  }
0x16a: {  	[tilespmem:s17+$0x0] =	vst v39;
	v36 =	vsub.s32 $0x5F3759DF, v25;
	v38 =	vmul.f32 v4, v57;
	v39 =	vmul.f32 v2, v58  }
0x16b: {  	[tilespmem:s17+$0x20] =	vst v59;
	v6 =	vsub.s32 $0x5F3759DF, v6;
	v25 =	vmul.f32 v55, v41;
	v59 =	vmul.f32 v0, v43  }
0x16c: {  	s18 =	sadd.s32 $0x8, s18;
	[tilespmem:s16+$0x0] =	vst v40;
	v61 =	vmul.f32 v36, v45;
	v60 =	vmul.f32 v6, v44  }
0x16d: {  	p4 =	slt.u32 s18, $0x1B0;
	[tilespmem:s16+$0x20] =	vst v62;
	v37 =	vsub.f32 $1.500000000e+00, v37;
	v25 =	vmul.f32 v55, v25;
	v40 =	vmul.f32 v0, v59  }
.Ltmp6:
0x16e: {  	[tilespmem:s5+$0x0] =	vst v42;
	v38 =	vsub.f32 $1.500000000e+00, v38;
	v62 =	vmul.f32 v36, v61;
	v42 =	vmul.f32 v6, v60;
	(pc) =	sbr.rel @p4 .LBB2_7-.Ltmp6, $4  }
0x16f: {  	v47 =	vmul.f32 v3, v37;
	v3 =	vsub.f32 $1.500000000e+00, v25;
	v25 =	vsub.f32 $1.500000000e+00, v39  }
0x170: {  	v46 =	vmul.f32 v4, v38;
	v4 =	vsub.f32 $1.500000000e+00, v40;
	v63 =	vsub.f32 $1.500000000e+00, v42  }
0x171: {  	v49 =	vmul.f32 v55, v3;
	v25 =	vmul.f32 v2, v25  }
0x172: {  	s19 =	sadd.s32 $0x80, s19;
	v7 =	vmovc v1;
	s17 =	smov.u32 s14;
	s16 =	smov.u32 s15;
	v13 =	vmovc v51;
	v37 =	vsub.f32 $1.500000000e+00, v62;
	v50 =	vmul.f32 v0, v4;
	v48 =	vmul.f32 v6, v63  }
0x173: {  	v0 =	vmul.f32 v47, v33;
	_ =	sdelay $0x1  }
0x174: {  	v0 =	vmul.f32 v0, v47;
	_ =	sdelay $0x1  }
0x175: {  	v2 =	vmul.f32 v46, v34;
	v0 =	vsub.f32 $1.500000000e+00, v0  }
0x176: {  	v3 =	vmul.f32 v49, v41;
	v6 =	vmul.f32 v50, v43  }
0x177: {  	v2 =	vmul.f32 v2, v46;
	v0 =	vmul.f32 v0, v47  }
0x178: {  	v4 =	vmul.f32 v25, v35;
	v3 =	vmul.f32 v3, v49  }
0x179: {  	v6 =	vmul.f32 v6, v50;
	v2 =	vsub.f32 $1.500000000e+00, v2;
	v47 =	vmul.f32 v0, v33  }
0x17a: {  	v4 =	vmul.f32 v4, v25;
	v3 =	vsub.f32 $1.500000000e+00, v3  }
0x17b: {  	v6 =	vsub.f32 $1.500000000e+00, v6;
	v2 =	vmul.f32 v2, v46;
	v33 =	vmul.f32 v47, v0  }
0x17c: {  	v1 =	vmul.f32 v36, v37;
	v4 =	vsub.f32 $1.500000000e+00, v4;
	v3 =	vmul.f32 v3, v49  }
0x17d: {  	v6 =	vmul.f32 v6, v50;
	v49 =	vmul.f32 v2, v34;
	v50 =	vsub.f32 $1.500000000e+00, v33  }
0x17e: {  	v4 =	vmul.f32 v4, v25;
	v52 =	vmul.f32 v3, v41  }
0x17f: {  	v34 =	vmul.f32 v49, v2;
	v0 =	vmul.f32 v50, v0  }
0x180: {  	v53 =	vmul.f32 v4, v35;
	v55 =	vmul.f32 v52, v3  }
0x181: {  	v37 =	vmul.f32 v1, v45;
	v54 =	vsub.f32 $1.500000000e+00, v34;
	v0 =	vmul.f32 v0, v26  }
0x182: {  	v42 =	vmul.f32 v48, v44;
	v25 =	vmul.f32 v53, v4;
	v34 =	vsub.f32 $1.500000000e+00, v55  }
0x183: {  	v37 =	vmul.f32 v37, v1;
	v2 =	vmul.f32 v54, v2;
	v0 =	vadd.f32 $9.999999930e-09, v0  }
0x184: {  	v56 =	vmul.f32 v6, v43;
	v25 =	vsub.f32 $1.500000000e+00, v25;
	v3 =	vmul.f32 v34, v3  }
0x185: {  	v2 =	vmul.f32 v2, v27;
	(erf) = vrcp.f32 v0  }
0x186: {  	v4 =	vmul.f32 v25, v4;
	v3 =	vmul.f32 v3, v28  }
0x187: {  	v51 =	vsub.f32 $1.500000000e+00, v37;
	v26 =	vmul.f32 v56, v6;
	v2 =	vadd.f32 $9.999999930e-09, v2  }
0x188: {  	v36 =	vmul.f32 v42, v48;
	v4 =	vmul.f32 v4, v30;
	v3 =	vadd.f32 $9.999999930e-09, v3  }
0x189: {  	v60 =	vld [tilespmem:$0x1FF40];
	v1 =	vmul.f32 v51, v1;
	v58 =	vsub.f32 $1.500000000e+00, v26;
	(erf) = vrcp.f32 v2  }
0x18a: {  	v61 =	vld [tilespmem:$0x1FF60];
	v36 =	vsub.f32 $1.500000000e+00, v36;
	(erf) = vrcp.f32 v3;
	v3 =	vadd.f32 $9.999999930e-09, v4  }
0x18b: {  	v0 =	vmul.f32 v1, v45;
	v6 =	vmul.f32 v58, v6  }
0x18c: {  	v36 =	vmul.f32 v36, v48  }
0x18d: {  	v0 =	vmul.f32 v0, v1;
	v59 =	vmul.f32 v6, v29  }
0x18e: {  	v6 =	vmul.f32 v23, v60;
	(erf) = vrcp.f32 v3;
	v3 =	vpop (erf)  }
0x18f: {  	v57 =	vmul.f32 v36, v44;
	v4 =	vmul.f32 v3, v61  }
0x190: {  	v0 =	vsub.f32 $1.500000000e+00, v0;
	[tilespmem:s5+$0x20] =	vst v6  }
0x191: {  	v2 =	vmul.f32 v57, v36;
	[tilespmem:s14+$0xFFFFFFC0] =	vst v4  }
0x192: {  	v0 =	vmul.f32 v0, v1;
	v1 =	vadd.f32 $9.999999930e-09, v59;
	v4 =	vld [tilespmem:$0x1FF50]  }
0x193: {  	v2 =	vsub.f32 $1.500000000e+00, v2;
	_ =	sdelay $0x1  }
0x194: {  	v2 =	vmul.f32 v2, v36;
	v62 =	vmul.f32 v3, v9  }
0x195: {  	(erf) = vrcp.f32 v1;
	v1 =	vpop (erf);
	v3 =	vmul.f32 v3, v22  }
0x196: {  	[tilespmem:s15+$0xFFFFFFC0] =	vst v62;
	v4 =	vmul.f32 v1, v4  }
0x197: {  	v2 =	vmul.f32 v2, v31;
	[tilespmem:s13+$0xFFFFFFC0] =	vst v3  }
0x198: {  	v0 =	vmul.f32 v0, v32;
	[tilespmem:s14+$0xFFFFFFD0] =	vst v4  }
0x199: {  	v2 =	vadd.f32 $9.999999930e-09, v2;
	v3 =	vld [tilespmem:$0x1FF70]  }
0x19a: {  	v0 =	vadd.f32 $9.999999930e-09, v0;
	_ =	sdelay $0x1  }
0x19b: {  	v5 =	vmul.f32 v1, v5;
	(erf) = vrcp.f32 v2  }
0x19c: {  	v2 =	vpop (erf);
	(erf) = vrcp.f32 v0;
	v1 =	vmul.f32 v1, v21  }
0x19d: {  	v63 =	vmul.f32 v2, v7;
	v0 =	vpop (erf);
	[tilespmem:s15+$0xFFFFFFD0] =	vst v5;
	v3 =	vmul.f32 v2, v3  }
0x19e: {  	[tilespmem:s13+$0xFFFFFFD0] =	vst v1;
	v1 =	vmul.f32 v2, v20;
	v2 =	vmul.f32 v0, v8  }
0x19f: {  	[tilespmem:s14+$0xFFFFFFE0] =	vst v3  }
0x1a0: {  	[tilespmem:s14+$0xFFFFFFF0] =	vst v2  }
0x1a1: {  	v3 =	vmul.f32 v0, v12;
	v0 =	vmul.f32 v0, v18;
	[tilespmem:s15+$0xFFFFFFE0] =	vst v63  }
0x1a2: {  	[tilespmem:s13+$0xFFFFFFE0] =	vst v1;
	v1 =	vpop (erf)  }
0x1a3: {  	[tilespmem:s15+$0xFFFFFFF0] =	vst v3;
	v2 =	vmul.f32 v1, v10  }
0x1a4: {  	v3 =	vmul.f32 v1, v11;
	[tilespmem:s13+$0xFFFFFFF0] =	vst v0;
	v1 =	vmul.f32 v1, v19  }
0x1a5: {  	v0 =	vpop (erf);
	[tilespmem:s17+$0x0] =	vst v2  }
0x1a6: {  	v2 =	vmul.f32 v0, v13;
	[tilespmem:s16+$0x0] =	vst v3  }
0x1a7: {  	v3 =	vmul.f32 v0, v16;
	[tilespmem:s13+$0x0] =	vst v1  }
0x1a8: {  	v0 =	vmul.f32 v0, v17;
	v1 =	vpop (erf);
	[tilespmem:s17+$0x10] =	vst v2  }
0x1a9: {  	v2 =	vmul.f32 v1, v15;
	[tilespmem:s16+$0x10] =	vst v3  }
0x1aa: {  	v3 =	vmul.f32 v1, v14;
	[tilespmem:s13+$0x10] =	vst v0  }
0x1ab: {  	v0 =	vmul.f32 v1, v24;
	[tilespmem:s17+$0x20] =	vst v2  }
0x1ac: {  	[tilespmem:s16+$0x20] =	vst v3  }
0x1ad: {  	[tilespmem:s13+$0x20] =	vst v0  }
0x1ae: {  	s0 =	rddreg [dreg:$0x8]  }
0x1af: {  	[hbm4b:s0+s2] =	stream.linear.scatter [tilespmem:s20], [sflag:$0x1], $0x1B80, $0x38;
	[tilespmem:$0x1D078] =	vst v63  }
0x1b0: {  	s17 =	simm.s32 $0x10F80;
	s16 =	rddreg [dreg:$0x9]  }
0x1b1: {  	[hbm4b:s16+s2] =	stream.linear.scatter [tilespmem:s17], [sflag:$0x1], $0x1B80, $0x38;
	[tilespmem:$0x1D078] =	vst v63  }
0x1b2: {  	s19 =	simm.s32 $0x14280;
	s18 =	rddreg [dreg:$0xa]  }
0x1b3: {  	[hbm4b:s18+s2] =	stream.linear.scatter [tilespmem:s19], [sflag:$0x1], $0x1B80, $0x38;
	[tilespmem:$0x1D078] =	vst v63  }
0x1b4: {  	_ =	swait.ge [sflag:s30], $0x1B80  }
0x1b5: {  	[sflag:s30] =	ssyncset.done $0x0  }
0x1b6: {  	[sflag:s30] =	ssyncadd.s32 $0xFFFFE480  }
0x1b7: {  	_ =	swait.ge [sflag:s30], $0x1B80  }
0x1b8: {  	[sflag:s30] =	ssyncset.done $0x0  }
0x1b9: {  	[sflag:s30] =	ssyncadd.s32 $0xFFFFE480  }
0x1ba: {  	_ =	swait.ge [sflag:s30], $0x1B80  }
0x1bb: {  	[sflag:s30] =	ssyncset.done $0x0  }
0x1bc: {  	[sflag:s30] =	ssyncadd.s32 $0xFFFFE480  }
0x1bd: {  	[bflag:$0x0] =	sbarrier.arrive $0xFFFF  }
0x1be: {  	s0 =	simm.s32 @p1 $0x1C600;
	s5 =	rddreg [dreg:$0xb]  }
0x1bf: {  	[tilespmem:s0], [sflag:$0x3] =	stream.linear.gather @p1 [spmem:s5], $0x3E8, $0x38;
	[tilespmem:$0x1D078] =	vst v63  }
0x1c0: {  	s5 =	simm.s32 @p1 $0x3  }
0x1c1: {  	_ =	swait.ge @p1 [sflag:s5], $0x3E8  }
0x1c2: {  	s13 =	simm.s32 @p1 $0x0;
	[sflag:s5] =	ssyncset.done @p1 $0x0  }
.Ltmp7:
0x1c3: {  	s14 =	rddreg [dreg:$0xc];
	[sflag:s5] =	ssyncadd.s32 @p1 $0xFFFFFC18;
	(pc) =	sbr.rel .LBB2_14-.Ltmp7, $4  }
0x1c4: {  	[hbm4b:s14+s13] =	stream.linear.scatter @p1 [tilespmem:s0], [sflag:$0x3], $0x3E8, $0x38;
	[tilespmem:$0x1D078] =	vst v63  }
0x1c5: {  	_ =	swait.ge @p1 [sflag:s5], $0x3E8  }
0x1c6: {  	[sflag:s5] =	ssyncset.done @p1 $0x0  }
0x1c7: {  	v0 =	vimm.f32 $0.0e+00;
	[sflag:s5] =	ssyncadd.s32 @p1 $0xFFFFFC18  }
.LBB2_9:
0x1c8: {  	_ =	swait.ge [sflag:s30], $0x2780  }
0x1c9: {  	[sflag:s30] =	ssyncset.done $0x0  }
0x1ca: {  	[sflag:s30] =	ssyncadd.s32 $0xFFFFD880  }
0x1cb: {  	_ =	swait.ge [sflag:s30], $0x2780  }
0x1cc: {  	[sflag:s30] =	ssyncset.done $0x0  }
0x1cd: {  	[sflag:s30] =	ssyncadd.s32 $0xFFFFD880  }
0x1ce: {  	_ =	swait.ge [sflag:s30], $0x2780  }
0x1cf: {  	[sflag:s30] =	ssyncset.done $0x0  }
0x1d0: {  	[sflag:s30] =	ssyncadd.s32 $0xFFFFD880  }
0x1d1: {  	_ =	swait.ge [sflag:s30], $0x32A0  }
0x1d2: {  	[sflag:s30] =	ssyncset.done $0x0  }
0x1d3: {  	[sflag:s30] =	ssyncadd.s32 $0xFFFFCD60  }
0x1d4: {  	_ =	swait.ge [sflag:s30], $0x32A0  }
0x1d5: {  	[sflag:s30] =	ssyncset.done $0x0  }
0x1d6: {  	s5 =	simm.s32 $0x76C0;
	[sflag:s30] =	ssyncadd.s32 $0xFFFFCD60  }
0x1d7: {  	v0 =	vld [tilespmem:s5+$0x30]  }
0x1d8: {  	s13 =	simm.s32 $0xA9C0;
	v1 =	vld [tilespmem:s5+$0xFFFFFFD0]  }
0x1d9: {  	v2 =	vld [tilespmem:s13+$0x30]  }
0x1da: {  	v3 =	vld [tilespmem:s13+$0xFFFFFFC0]  }
0x1db: {  	v4 =	vld [tilespmem:s13+$0xFFFFFFD0]  }
0x1dc: {  	v5 =	vld [tilespmem:s5+$0xFFFFFFE0]  }
0x1dd: {  	v6 =	vld [tilespmem:s13+$0xFFFFFFE0]  }
0x1de: {  	v7 =	vld [tilespmem:s5+$0xFFFFFFF0]  }
0x1df: {  	v12 =	vld [tilespmem:s13+$0xFFFFFFF0]  }
0x1e0: {  	s0 =	simm.s32 $0x0;
	v24 =	vld [tilespmem:s5+$0x0]  }
0x1e1: {  	v8 =	vld.idx.msk [tilespmem:v0+s0+$0x0], $0xffff  }
0x1e2: {  	v9 =	vld.idx.msk [tilespmem:v0+s23+$0x0], $0xffff  }
0x1e3: {  	v10 =	vld.idx.msk [tilespmem:v2+s0+$0x0], $0xffff  }
0x1e4: {  	v11 =	vld.idx.msk [tilespmem:v2+s23+$0x0], $0xffff  }
0x1e5: {  	v0 =	vld.idx.msk [tilespmem:v0+s24+$0x0], $0xffff  }
0x1e6: {  	v2 =	vld.idx.msk [tilespmem:v2+s24+$0x0], $0xffff  }
0x1e7: {  	v26 =	vld [tilespmem:s13+$0x0]  }
0x1e8: {  	v27 =	vld [tilespmem:s5+$0x10]  }
0x1e9: {  	v31 =	vld [tilespmem:s13+$0x10];
	v8 =	vsub.f32 v10, v8;
	v9 =	vsub.f32 v11, v9  }
0x1ea: {  	v15 =	vld [tilespmem:s5+$0xFFFFFFC0]  }
0x1eb: {  	v32 =	vld [tilespmem:s5+$0x20];
	v0 =	vsub.f32 v2, v0;
	v61 =	vmul.f32 v8, v8;
	v10 =	vmul.f32 v9, v9  }
0x1ec: {  	v33 =	vld [tilespmem:s13+$0x20]  }
0x1ed: {  	v16 =	vld.idx.msk [tilespmem:v3+s23+$0x0], $0xffff;
	v2 =	vadd.f32 v10, v61;
	v10 =	vmul.f32 v0, v0  }
0x1ee: {  	v14 =	vld.idx.msk [tilespmem:v1+s23+$0x0], $0xffff  }
0x1ef: {  	v18 =	vld.idx.msk [tilespmem:v4+s0+$0x0], $0xffff;
	v2 =	vadd.f32 v10, v2  }
0x1f0: {  	v19 =	vld.idx.msk [tilespmem:v4+s23+$0x0], $0xffff  }
0x1f1: {  	v21 =	vld.idx.msk [tilespmem:v5+s0+$0x0], $0xffff;
	v13 =	vshra.s32 v2, $0x1;
	v17 =	vmul.f32 $5.000000000e-01, v2  }
0x1f2: {  	v22 =	vld.idx.msk [tilespmem:v15+s0+$0x0], $0xffff;
	v13 =	vsub.s32 $0x5F3759DF, v13  }
0x1f3: {  	v23 =	vld.idx.msk [tilespmem:v15+s23+$0x0], $0xffff;
	v20 =	vmul.f32 v13, v17  }
0x1f4: {  	v25 =	vld.idx.msk [tilespmem:v5+s23+$0x0], $0xffff  }
0x1f5: {  	v28 =	vld.idx.msk [tilespmem:v6+s0+$0x0], $0xffff;
	v20 =	vmul.f32 v13, v20  }
0x1f6: {  	v29 =	vld.idx.msk [tilespmem:v6+s23+$0x0], $0xffff  }
0x1f7: {  	v30 =	vld.idx.msk [tilespmem:v7+s23+$0x0], $0xffff;
	v20 =	vsub.f32 $1.500000000e+00, v20  }
0x1f8: {  	v35 =	vld.idx.msk [tilespmem:v12+s0+$0x0], $0xffff  }
0x1f9: {  	v36 =	vld.idx.msk [tilespmem:v12+s23+$0x0], $0xffff;
	v13 =	vmul.f32 v13, v20  }
0x1fa: {  	v37 =	vld.idx.msk [tilespmem:v24+s0+$0x0], $0xffff  }
0x1fb: {  	v38 =	vld.idx.msk [tilespmem:v24+s23+$0x0], $0xffff;
	v34 =	vmul.f32 v13, v17  }
0x1fc: {  	v10 =	vld.idx.msk [tilespmem:v1+s0+$0x0], $0xffff  }
0x1fd: {  	v39 =	vld.idx.msk [tilespmem:v26+s0+$0x0], $0xffff;
	v34 =	vmul.f32 v34, v13  }
0x1fe: {  	v11 =	vld.idx.msk [tilespmem:v3+s0+$0x0], $0xffff  }
0x1ff: {  	v40 =	vld.idx.msk [tilespmem:v26+s23+$0x0], $0xffff;
	v34 =	vsub.f32 $1.500000000e+00, v34  }
0x200: {  	v41 =	vld.idx.msk [tilespmem:v27+s0+$0x0], $0xffff  }
0x201: {  	v42 =	vld.idx.msk [tilespmem:v27+s23+$0x0], $0xffff;
	v34 =	vmul.f32 v34, v13;
	v13 =	vsub.f32 v18, v10  }
0x202: {  	v43 =	vld.idx.msk [tilespmem:v31+s0+$0x0], $0xffff;
	v10 =	vsub.f32 v19, v14  }
0x203: {  	v11 =	vsub.f32 v11, v22;
	v20 =	vld.idx.msk [tilespmem:v7+s0+$0x0], $0xffff;
	[tilespmem:$0x1FF00] =	vst v13  }
0x204: {  	v19 =	vmul.f32 v13, v13;
	v13 =	vsub.f32 v16, v23;
	v18 =	vld.idx.msk [tilespmem:v31+s23+$0x0], $0xffff;
	[tilespmem:$0x1FF10] =	vst v10  }
0x205: {  	[tilespmem:$0x1FEE0] =	vst v11  }
0x206: {  	v17 =	vmul.f32 v34, v17;
	v44 =	vld.idx.msk [tilespmem:v32+s0+$0x0], $0xffff;
	[tilespmem:$0x1FEF0] =	vst v13  }
0x207: {  	v22 =	vmul.f32 v11, v11;
	v45 =	vld.idx.msk [tilespmem:v32+s23+$0x0], $0xffff  }
0x208: {  	v17 =	vmul.f32 v17, v34;
	v23 =	vmul.f32 v13, v13;
	v46 =	vld.idx.msk [tilespmem:v33+s0+$0x0], $0xffff  }
0x209: {  	v47 =	vld.idx.msk [tilespmem:v33+s23+$0x0], $0xffff  }
0x20a: {  	v3 =	vld.idx.msk [tilespmem:v3+s24+$0x0], $0xffff;
	v16 =	vsub.f32 $1.500000000e+00, v17;
	v17 =	vmul.f32 v10, v10;
	v49 =	vadd.f32 v23, v22  }
0x20b: {  	v1 =	vld.idx.msk [tilespmem:v1+s24+$0x0], $0xffff;
	v23 =	vsub.f32 v35, v20;
	v22 =	vsub.f32 v36, v30  }
0x20c: {  	v4 =	vld.idx.msk [tilespmem:v4+s24+$0x0], $0xffff;
	v20 =	vsub.f32 v39, v37;
	v48 =	vadd.f32 v17, v19  }
0x20d: {  	v5 =	vld.idx.msk [tilespmem:v5+s24+$0x0], $0xffff;
	v34 =	vmul.f32 v16, v34;
	v16 =	vsub.f32 v28, v21;
	v21 =	vsub.f32 v29, v25  }
0x20e: {  	v6 =	vld.idx.msk [tilespmem:v6+s24+$0x0], $0xffff;
	v25 =	vmul.f32 v23, v23;
	v29 =	vmul.f32 v22, v22;
	v18 =	vsub.f32 v18, v42  }
0x20f: {  	v28 =	vld.idx.msk [tilespmem:v15+s24+$0x0], $0xffff;
	v2 =	vmul.f32 v34, v2;
	v17 =	vmul.f32 v16, v16;
	v10 =	vsub.f32 v47, v45  }
0x210: {  	v7 =	vld.idx.msk [tilespmem:v7+s24+$0x0], $0xffff;
	v19 =	vmul.f32 v21, v21;
	v63 =	vadd.f32 v29, v25;
	v25 =	vsub.f32 v46, v44  }
0x211: {  	v12 =	vld.idx.msk [tilespmem:v12+s24+$0x0], $0xffff;
	v29 =	vsub.f32 v4, v1;
	v2 =	vadd.f32 $9.999999930e-09, v2;
	[tilespmem:$0x1FF30] =	vst v10  }
0x212: {  	v62 =	vadd.f32 v19, v17;
	v17 =	vsub.f32 v40, v38;
	v40 =	vmul.f32 v20, v20;
	v24 =	vld.idx.msk [tilespmem:v24+s24+$0x0], $0xffff  }
0x213: {  	v19 =	vsub.f32 v43, v41;
	v47 =	vmul.f32 v25, v25;
	v4 =	vmul.f32 v10, v10;
	v50 =	vld.idx.msk [tilespmem:v26+s24+$0x0], $0xffff  }
0x214: {  	v30 =	vsub.f32 v3, v28;
	v3 =	vmul.f32 v18, v18;
	v51 =	vld.idx.msk [tilespmem:v27+s24+$0x0], $0xffff;
	v27 =	vmul.f32 v29, v29  }
0x215: {  	v28 =	vsub.f32 v6, v5;
	v6 =	vld.idx.msk [tilespmem:v31+s24+$0x0], $0xffff;
	(erf) = vrcp.f32 v2;
	v43 =	vmul.f32 v17, v17  }
0x216: {  	v52 =	vld.idx.msk [tilespmem:v32+s24+$0x0], $0xffff;
	v46 =	vmul.f32 v19, v19;
	v38 =	vadd.f32 v4, v47;
	v26 =	vmul.f32 v30, v30  }
0x217: {  	v33 =	vld.idx.msk [tilespmem:v33+s24+$0x0], $0xffff;
	v14 =	vadd.f32 v27, v48;
	v5 =	vmul.f32 v28, v28;
	v27 =	vsub.f32 v12, v7  }
0x218: {  	v35 =	vadd.f32 v43, v40;
	v37 =	vadd.f32 v3, v46  }
0x219: {  	v15 =	vadd.f32 v26, v49;
	v54 =	vmul.f32 v27, v27;
	v13 =	vadd.f32 v5, v62  }
0x21a: {  	v55 =	vshra.s32 v14, $0x1;
	v26 =	vsub.f32 v50, v24;
	v24 =	vsub.f32 v6, v51  }
0x21b: {  	v53 =	vshra.s32 v15, $0x1;
	v41 =	vmul.f32 $5.000000000e-01, v15;
	v10 =	vadd.f32 v54, v63  }
0x21c: {  	v56 =	vsub.f32 v33, v52;
	v61 =	vsub.s32 $0x5F3759DF, v55;
	v60 =	vsub.s32 $0x5F3759DF, v53  }
0x21d: {  	v58 =	vshra.s32 v10, $0x1;
	v43 =	vmul.f32 $5.000000000e-01, v10;
	v63 =	vmul.f32 v60, v41  }
0x21e: {  	v57 =	vmul.f32 v24, v24;
	v6 =	vmul.f32 v56, v56;
	v33 =	vsub.s32 $0x5F3759DF, v58  }
0x21f: {  	v34 =	vshra.s32 v13, $0x1;
	v7 =	vpop (erf);
	v54 =	vmul.f32 v33, v43;
	v39 =	vmul.f32 v60, v63  }
0x220: {  	v12 =	vadd.f32 v6, v38;
	v31 =	vmul.f32 v7, v8;
	v32 =	vmul.f32 v7, v9  }
0x221: {  	v34 =	vsub.s32 $0x5F3759DF, v34;
	v8 =	vmul.f32 v26, v26;
	v0 =	vmul.f32 v7, v0  }
0x222: {  	v9 =	vadd.f32 v57, v37;
	v51 =	vmul.f32 $5.000000000e-01, v12;
	v52 =	vshra.s32 v12, $0x1  }
0x223: {  	v42 =	vsub.s32 $0x5F3759DF, v52;
	v39 =	vsub.f32 $1.500000000e+00, v39;
	v45 =	vmul.f32 v33, v54  }
0x224: {  	[tilespmem:$0x1FF20] =	vst v0;
	v0 =	vmul.f32 $5.000000000e-01, v14;
	v11 =	vadd.f32 v8, v35;
	v35 =	vmul.f32 $5.000000000e-01, v13  }
0x225: {  	v62 =	vshra.s32 v9, $0x1;
	v50 =	vmul.f32 $5.000000000e-01, v9;
	v57 =	vmul.f32 v42, v51  }
0x226: {  	v38 =	vsub.s32 $0x5F3759DF, v62;
	v1 =	vmul.f32 v60, v39;
	v49 =	vmul.f32 $5.000000000e-01, v11  }
0x227: {  	s5 =	simm.s32 $0xAA40;
	[tilespmem:$0x1FEA0] =	vst v56;
	v59 =	vshra.s32 v11, $0x1;
	v2 =	vmul.f32 v61, v0;
	v53 =	vmul.f32 v34, v35  }
0x228: {  	v39 =	vld [tilespmem:s5+$0xFFFFFFD0];
	v56 =	vmul.f32 v38, v50;
	v48 =	vmul.f32 v42, v57;
	v36 =	vsub.s32 $0x5F3759DF, v59  }
0x229: {  	v55 =	vmul.f32 v36, v49;
	v40 =	vmul.f32 v61, v2  }
0x22a: {  	s20 =	simm.s32 $0x7740;
	v59 =	vsub.f32 $1.500000000e+00, v45;
	v63 =	vmul.f32 v1, v41;
	v44 =	vmul.f32 v34, v53  }
0x22b: {  	v45 =	vld [tilespmem:s20+$0x30];
	v62 =	vsub.f32 $1.500000000e+00, v48;
	v46 =	vmul.f32 v36, v55;
	v40 =	vsub.f32 $1.500000000e+00, v40  }
0x22c: {  	v37 =	vld [tilespmem:s20+$0xFFFFFFE0];
	v47 =	vmul.f32 v38, v56;
	v58 =	vsub.f32 $1.500000000e+00, v44;
	v44 =	vmul.f32 v33, v59  }
0x22d: {  	v42 =	vmul.f32 v42, v62;
	v33 =	vld [tilespmem:s5+$0xFFFFFFE0];
	v52 =	vmul.f32 v61, v40;
	v60 =	vsub.f32 $1.500000000e+00, v46  }
0x22e: {  	v61 =	vsub.f32 $1.500000000e+00, v47;
	v34 =	vmul.f32 v34, v58;
	v46 =	vld [tilespmem:s5+$0x30];
	v55 =	vmul.f32 v44, v43  }
0x22f: {  	v40 =	vld [tilespmem:s5+$0xFFFFFFC0];
	v58 =	vmul.f32 v42, v51;
	v47 =	vmul.f32 v63, v1  }
0x230: {  	v3 =	vld.idx.msk [tilespmem:v39+s0+$0x0], $0xffff;
	v36 =	vmul.f32 v36, v60;
	v48 =	vmul.f32 v38, v61  }
0x231: {  	v4 =	vld.idx.msk [tilespmem:v39+s23+$0x0], $0xffff;
	v53 =	vmul.f32 v52, v0;
	v54 =	vmul.f32 v34, v35  }
0x232: {  	v38 =	vld [tilespmem:s20+$0xFFFFFFD0];
	v55 =	vmul.f32 v55, v44;
	v58 =	vmul.f32 v58, v42  }
0x233: {  	v47 =	vsub.f32 $1.500000000e+00, v47;
	v59 =	vld.idx.msk [tilespmem:v45+s0+$0x0], $0xffff;
	v56 =	vmul.f32 v36, v49;
	v53 =	vmul.f32 v53, v52  }
0x234: {  	v60 =	vld.idx.msk [tilespmem:v45+s23+$0x0], $0xffff;
	v57 =	vmul.f32 v48, v50;
	v54 =	vmul.f32 v54, v34;
	v55 =	vsub.f32 $1.500000000e+00, v55  }
0x235: {  	v63 =	vld.idx.msk [tilespmem:v45+s24+$0x0], $0xffff;
	v1 =	vmul.f32 v47, v1;
	v56 =	vmul.f32 v56, v36;
	v53 =	vsub.f32 $1.500000000e+00, v53  }
0x236: {  	v57 =	vmul.f32 v57, v48;
	v54 =	vsub.f32 $1.500000000e+00, v54;
	v55 =	vmul.f32 v55, v44;
	v61 =	vld.idx.msk [tilespmem:v46+s0+$0x0], $0xffff  }
0x237: {  	v41 =	vmul.f32 v1, v41;
	v62 =	vld.idx.msk [tilespmem:v46+s23+$0x0], $0xffff;
	v56 =	vsub.f32 $1.500000000e+00, v56;
	v52 =	vmul.f32 v53, v52  }
0x238: {  	v2 =	vsub.f32 $1.500000000e+00, v57;
	v53 =	vmul.f32 v54, v34;
	v54 =	vld.idx.msk [tilespmem:v46+s24+$0x0], $0xffff;
	v46 =	vsub.f32 $1.500000000e+00, v58  }
0x239: {  	v45 =	vld [tilespmem:s20+$0x10];
	v56 =	vmul.f32 v56, v36;
	v0 =	vmul.f32 v52, v0  }
0x23a: {  	v47 =	vld [tilespmem:s20+$0xFFFFFFF0];
	v57 =	vmul.f32 v2, v48;
	v58 =	vmul.f32 v46, v42  }
0x23b: {  	v44 =	vld [tilespmem:s5+$0x0];
	v0 =	vmul.f32 v0, v52;
	v49 =	vmul.f32 v56, v49  }
0x23c: {  	v48 =	vld [tilespmem:s5+$0xFFFFFFF0];
	v50 =	vmul.f32 v57, v50;
	v36 =	vsub.f32 v61, v59;
	v34 =	vsub.f32 v62, v60  }
0x23d: {  	v46 =	vld [tilespmem:s20+$0x0];
	v51 =	vmul.f32 v58, v51;
	v59 =	vmul.f32 v53, v35  }
0x23e: {  	v42 =	vld [tilespmem:s20+$0x20];
	v35 =	vsub.f32 v54, v63;
	v54 =	vmul.f32 v36, v36;
	v60 =	vmul.f32 v34, v34  }
0x23f: {  	v8 =	vld.idx.msk [tilespmem:v38+s0+$0x0], $0xffff;
	v61 =	vmul.f32 v55, v43;
	v43 =	vmul.f32 v41, v1;
	v0 =	vsub.f32 $1.500000000e+00, v0  }
0x240: {  	v7 =	vld.idx.msk [tilespmem:v38+s23+$0x0], $0xffff;
	v49 =	vmul.f32 v49, v56;
	v54 =	vadd.f32 v60, v54;
	v60 =	vmul.f32 v35, v35  }
0x241: {  	v63 =	vld [tilespmem:s20+$0xFFFFFFC0];
	v51 =	vmul.f32 v51, v58;
	v62 =	vsub.f32 $1.500000000e+00, v43;
	v59 =	vmul.f32 v59, v53  }
0x242: {  	v41 =	vld [tilespmem:s5+$0x10];
	v61 =	vmul.f32 v61, v55;
	v5 =	vmul.f32 v0, v52;
	v54 =	vadd.f32 v60, v54  }
0x243: {  	v43 =	vld [tilespmem:s5+$0x20];
	v49 =	vsub.f32 $1.500000000e+00, v49;
	v51 =	vsub.f32 $1.500000000e+00, v51;
	v6 =	vmul.f32 v62, v1  }
0x244: {  	v62 =	vld.idx.msk [tilespmem:v40+s23+$0x0], $0xffff;
	v59 =	vsub.f32 $1.500000000e+00, v59;
	v52 =	vshra.s32 v54, $0x1;
	v1 =	vmul.f32 $5.000000000e-01, v54  }
0x245: {  	v51 =	vmul.f32 v51, v58;
	v58 =	vsub.f32 v3, v8;
	v8 =	vld.idx.msk [tilespmem:v47+s0+$0x0], $0xffff;
	v52 =	vsub.s32 $0x5F3759DF, v52  }
0x246: {  	v49 =	vmul.f32 v49, v56;
	v60 =	vld.idx.msk [tilespmem:v40+s0+$0x0], $0xffff;
	v0 =	vmul.f32 v52, v1  }
0x247: {  	v61 =	vsub.f32 $1.500000000e+00, v61;
	v14 =	vmul.f32 v5, v14;
	v53 =	vmul.f32 v59, v53;
	v59 =	vld.idx.msk [tilespmem:v37+s0+$0x0], $0xffff  }
0x248: {  	v11 =	vmul.f32 v49, v11;
	v49 =	vld.idx.msk [tilespmem:v33+s23+$0x0], $0xffff;
	v0 =	vmul.f32 v52, v0  }
0x249: {  	v50 =	vmul.f32 v50, v57;
	v5 =	vsub.f32 v4, v7;
	v55 =	vmul.f32 v61, v55;
	v61 =	vld.idx.msk [tilespmem:v63+s0+$0x0], $0xffff  }
0x24a: {  	v6 =	vmul.f32 v6, v15;
	v7 =	vadd.f32 $9.999999930e-09, v14;
	v14 =	vld.idx.msk [tilespmem:v47+s23+$0x0], $0xffff;
	v0 =	vsub.f32 $1.500000000e+00, v0  }
0x24b: {  	v50 =	vsub.f32 $1.500000000e+00, v50;
	v15 =	vld.idx.msk [tilespmem:v63+s23+$0x0], $0xffff  }
0x24c: {  	v13 =	vmul.f32 v53, v13;
	v53 =	vld.idx.msk [tilespmem:v33+s0+$0x0], $0xffff;
	v6 =	vadd.f32 $9.999999930e-09, v6;
	v0 =	vmul.f32 v52, v0  }
0x24d: {  	v50 =	vmul.f32 v50, v57;
	v12 =	vmul.f32 v51, v12;
	v52 =	vld.idx.msk [tilespmem:v37+s23+$0x0], $0xffff;
	[tilespmem:$0x1FEB0] =	vst v58  }
0x24e: {  	(erf) = vrcp.f32 v6;
	v3 =	vsub.f32 v60, v61;
	v51 =	vld.idx.msk [tilespmem:v48+s23+$0x0], $0xffff;
	v57 =	vmul.f32 v0, v1  }
0x24f: {  	v10 =	vmul.f32 v55, v10;
	(erf) = vrcp.f32 v7;
	v7 =	vadd.f32 $9.999999930e-09, v13;
	v13 =	vld.idx.msk [tilespmem:v46+s0+$0x0], $0xffff  }
0x250: {  	v6 =	vmul.f32 v57, v0;
	v57 =	vld.idx.msk [tilespmem:v48+s0+$0x0], $0xffff;
	[tilespmem:$0x1FEC0] =	vst v3  }
0x251: {  	v50 =	vmul.f32 v50, v9;
	v10 =	vadd.f32 $9.999999930e-09, v10;
	v61 =	vmul.f32 v58, v58;
	v58 =	vld.idx.msk [tilespmem:v44+s0+$0x0], $0xffff  }
0x252: {  	v9 =	vsub.f32 v62, v15;
	(erf) = vrcp.f32 v7;
	v7 =	vsub.f32 v49, v52;
	v49 =	vld.idx.msk [tilespmem:v44+s23+$0x0], $0xffff  }
0x253: {  	v60 =	vsub.f32 v53, v59;
	v52 =	vld.idx.msk [tilespmem:v45+s0+$0x0], $0xffff;
	v15 =	vsub.f32 $1.500000000e+00, v6  }
0x254: {  	v11 =	vadd.f32 $9.999999930e-09, v11;
	v53 =	vld.idx.msk [tilespmem:v45+s23+$0x0], $0xffff  }
0x255: {  	(erf) = vrcp.f32 v10;
	v10 =	vadd.f32 $9.999999930e-09, v50;
	v0 =	vmul.f32 v15, v0;
	v15 =	vld.idx.msk [tilespmem:v46+s23+$0x0], $0xffff;
	[tilespmem:$0x1FED0] =	vst v60  }
0x256: {  	v12 =	vadd.f32 $9.999999930e-09, v12;
	(erf) = vrcp.f32 v11;
	v8 =	vsub.f32 v57, v8;
	v57 =	vld.idx.msk [tilespmem:v41+s0+$0x0], $0xffff  }
0x257: {  	(erf) = vrcp.f32 v10;
	v59 =	vld.idx.msk [tilespmem:v41+s23+$0x0], $0xffff  }
0x258: {  	v11 =	vpop (erf);
	(erf) = vrcp.f32 v12;
	v12 =	vsub.f32 v51, v14;
	v14 =	vld.idx.msk [tilespmem:v42+s0+$0x0], $0xffff  }
0x259: {  	v40 =	vld.idx.msk [tilespmem:v40+s24+$0x0], $0xffff  }
0x25a: {  	v2 =	vmul.f32 v5, v5;
	v38 =	vld.idx.msk [tilespmem:v38+s24+$0x0], $0xffff  }
0x25b: {  	v37 =	vld.idx.msk [tilespmem:v37+s24+$0x0], $0xffff  }
0x25c: {  	s17 =	simm.s32 $0xDCC0;
	v55 =	vadd.f32 v2, v61;
	v61 =	vmul.f32 v3, v3;
	v46 =	vld.idx.msk [tilespmem:v46+s24+$0x0], $0xffff;
	v1 =	vmul.f32 v0, v1  }
0x25d: {  	v62 =	vmul.f32 v9, v9;
	v56 =	vmul.f32 v60, v60;
	[tilespmem:s17+$0x30] =	vst v31;
	v44 =	vld.idx.msk [tilespmem:v44+s24+$0x0], $0xffff  }
0x25e: {  	v31 =	vmul.f32 v7, v7;
	v60 =	vld [tilespmem:$0x1FEE0];
	v1 =	vmul.f32 v1, v0  }
0x25f: {  	v50 =	vadd.f32 v62, v61;
	v61 =	vld [tilespmem:$0x1FEF0];
	v10 =	vsub.f32 v58, v13;
	v13 =	vmul.f32 v12, v12  }
0x260: {  	v62 =	vmul.f32 v8, v8;
	v31 =	vadd.f32 v31, v56;
	v56 =	vld [tilespmem:$0x1FF00];
	v1 =	vsub.f32 $1.500000000e+00, v1  }
0x261: {  	v45 =	vld.idx.msk [tilespmem:v45+s24+$0x0], $0xffff  }
0x262: {  	v0 =	vmul.f32 v1, v0;
	v1 =	vadd.f32 v13, v62;
	v13 =	vsub.f32 v57, v52;
	v57 =	vld [tilespmem:$0x1FF10]  }
0x263: {  	v30 =	vmul.f32 v11, v30;
	v58 =	vld.idx.msk [tilespmem:v42+s23+$0x0], $0xffff  }
0x264: {  	v51 =	vmul.f32 v11, v60;
	v60 =	vmul.f32 v11, v61;
	v11 =	vsub.f32 v49, v15;
	v15 =	vpop (erf);
	v49 =	vld.idx.msk [tilespmem:v43+s0+$0x0], $0xffff  }
0x265: {  	v0 =	vmul.f32 v0, v54;
	v54 =	vmul.f32 v15, v56;
	v56 =	vld.idx.msk [tilespmem:v63+s24+$0x0], $0xffff  }
0x266: {  	v61 =	vmul.f32 v10, v10;
	v62 =	vmul.f32 v11, v11;
	v63 =	vld.idx.msk [tilespmem:v43+s23+$0x0], $0xffff  }
0x267: {  	s18 =	simm.s32 $0x10FC0;
	v41 =	vld.idx.msk [tilespmem:v41+s24+$0x0], $0xffff;
	v29 =	vmul.f32 v15, v29;
	v52 =	vmul.f32 v15, v57;
	v15 =	vpop (erf)  }
0x268: {  	[tilespmem:s18+$0x30] =	vst v32;
	v32 =	vadd.f32 v62, v61;
	v62 =	vld.idx.msk [tilespmem:v47+s24+$0x0], $0xffff;
	v0 =	vadd.f32 $9.999999930e-09, v0;
	v57 =	vmul.f32 v15, v16  }
0x269: {  	v16 =	vsub.f32 v59, v53;
	v53 =	vmul.f32 v15, v21;
	v59 =	vmul.f32 v15, v28;
	v21 =	vld.idx.msk [tilespmem:v39+s24+$0x0], $0xffff  }
0x26a: {  	v39 =	vld [tilespmem:$0x1FF20];
	v15 =	vsub.f32 v49, v14;
	v28 =	vpop (erf);
	(erf) = vrcp.f32 v0;
	v0 =	vmul.f32 v13, v13;
	[tilespmem:s17+$0xFFFFFFC0] =	vst v51  }
0x26b: {  	[tilespmem:s17+$0xFFFFFFD0] =	vst v54;
	v14 =	vsub.f32 v63, v58;
	v49 =	vmul.f32 v28, v23;
	v58 =	vmul.f32 v28, v22  }
0x26c: {  	v23 =	vld.idx.msk [tilespmem:v33+s24+$0x0], $0xffff;
	v22 =	vsub.f32 v40, v56;
	v56 =	vpop (erf);
	v47 =	vmul.f32 v28, v27;
	v61 =	vmul.f32 v16, v16  }
0x26d: {  	v28 =	vld.idx.msk [tilespmem:v48+s24+$0x0], $0xffff;
	[tilespmem:s18+$0xFFFFFFC0] =	vst v60;
	v63 =	vmul.f32 v15, v15;
	v48 =	vmul.f32 v56, v20  }
0x26e: {  	s13 =	simm.s32 $0x142C0;
	[tilespmem:s18+$0xFFFFFFD0] =	vst v52;
	v27 =	vmul.f32 v14, v14;
	v20 =	vmul.f32 v22, v22;
	v0 =	vadd.f32 v61, v0  }
0x26f: {  	[tilespmem:s13+$0x30] =	vst v39;
	v21 =	vsub.f32 v21, v38;
	v38 =	vmul.f32 v56, v17;
	v39 =	vmul.f32 v56, v26;
	v17 =	vpop (erf)  }
0x270: {  	[tilespmem:s13+$0xFFFFFFC0] =	vst v30;
	v40 =	vadd.f32 v27, v63;
	v26 =	vadd.f32 v20, v50;
	v56 =	vmul.f32 v17, v19  }
0x271: {  	[tilespmem:s13+$0xFFFFFFD0] =	vst v29;
	v20 =	vsub.f32 v23, v37;
	v23 =	vpop (erf);
	v37 =	vmul.f32 v17, v18;
	v50 =	vmul.f32 v17, v24  }
0x272: {  	v24 =	vld.idx.msk [tilespmem:v42+s24+$0x0], $0xffff;
	v18 =	vsub.f32 v28, v62;
	v19 =	vmul.f32 v21, v21;
	v25 =	vmul.f32 v23, v25  }
0x273: {  	[tilespmem:s17+$0xFFFFFFE0] =	vst v57;
	v42 =	vld.idx.msk [tilespmem:v43+s24+$0x0], $0xffff;
	v43 =	vshra.s32 v26, $0x1;
	v33 =	vmul.f32 $5.000000000e-01, v26;
	v17 =	vmul.f32 v20, v20  }
0x274: {  	[tilespmem:s18+$0xFFFFFFE0] =	vst v53;
	v62 =	vmul.f32 v18, v18;
	v27 =	vadd.f32 v19, v55;
	v61 =	vpop (erf);
	v19 =	vsub.f32 v44, v46  }
0x275: {  	[tilespmem:s17+$0xFFFFFFF0] =	vst v49;
	v36 =	vmul.f32 v61, v36;
	v28 =	vadd.f32 v17, v31;
	v55 =	vmul.f32 v61, v34  }
0x276: {  	[tilespmem:s13+$0xFFFFFFE0] =	vst v59;
	v17 =	vsub.f32 v41, v45;
	v51 =	vmul.f32 v61, v35;
	v30 =	vadd.f32 v62, v1  }
0x277: {  	[tilespmem:s18+$0xFFFFFFF0] =	vst v58;
	v1 =	vsub.s32 $0x5F3759DF, v43;
	v46 =	vshra.s32 v27, $0x1;
	v31 =	vmul.f32 v19, v19  }
0x278: {  	[tilespmem:s17+$0x0] =	vst v48;
	v34 =	vmul.f32 $5.000000000e-01, v27;
	v24 =	vsub.f32 v42, v24;
	v57 =	vmul.f32 v1, v33  }
0x279: {  	[tilespmem:s13+$0xFFFFFFF0] =	vst v47;
	v45 =	vshra.s32 v28, $0x1;
	v63 =	vmul.f32 v17, v17;
	v41 =	vmul.f32 $5.000000000e-01, v28  }
0x27a: {  	[tilespmem:s18+$0x0] =	vst v38;
	v60 =	vshra.s32 v30, $0x1;
	v35 =	vmul.f32 $5.000000000e-01, v30;
	v46 =	vsub.s32 $0x5F3759DF, v46  }
0x27b: {  	[tilespmem:s13+$0x0] =	vst v39;
	v29 =	vadd.f32 v31, v32;
	v62 =	vmul.f32 v24, v24;
	v59 =	vmul.f32 v46, v34  }
0x27c: {  	[tilespmem:s17+$0x10] =	vst v56;
	v42 =	vsub.s32 $0x5F3759DF, v60;
	v60 =	vmul.f32 v1, v57;
	v31 =	vadd.f32 v63, v0  }
0x27d: {  	s15 =	simm.s32 $0xDD40;
	[tilespmem:s18+$0x10] =	vst v37;
	v0 =	vsub.s32 $0x5F3759DF, v45;
	v61 =	vshra.s32 v29, $0x1;
	v43 =	vmul.f32 $5.000000000e-01, v29  }
0x27e: {  	s16 =	simm.s32 $0x11040;
	[tilespmem:s15+$0x30] =	vst v36;
	v32 =	vadd.f32 v62, v40;
	v40 =	vmul.f32 v46, v59;
	v62 =	vmul.f32 v0, v41  }
0x27f: {  	s14 =	simm.s32 $0x14340;
	[tilespmem:s16+$0x30] =	vst v55;
	v47 =	vsub.f32 $1.500000000e+00, v60;
	v63 =	vshra.s32 v31, $0x1;
	v44 =	vmul.f32 $5.000000000e-01, v31  }
0x280: {  	[tilespmem:s14+$0x30] =	vst v51;
	v52 =	vsub.s32 $0x5F3759DF, v61;
	v53 =	vsub.s32 $0x5F3759DF, v63;
	v45 =	vmul.f32 $5.000000000e-01, v32  }
0x281: {  	v2 =	vld [tilespmem:$0x1FF30];
	v63 =	vmul.f32 v42, v35;
	v57 =	vmul.f32 v52, v43;
	v40 =	vsub.f32 $1.500000000e+00, v40  }
0x282: {  	v61 =	vshra.s32 v32, $0x1;
	v47 =	vmul.f32 v1, v47;
	v60 =	vmul.f32 v0, v62  }
0x283: {  	v36 =	vsub.s32 $0x5F3759DF, v61;
	v58 =	vmul.f32 v53, v44;
	v46 =	vmul.f32 v46, v40  }
0x284: {  	v59 =	vmul.f32 v36, v45;
	v61 =	vmul.f32 v42, v63  }
0x285: {  	v62 =	vmul.f32 v52, v57;
	v1 =	vmul.f32 v53, v58  }
0x286: {  	v39 =	vsub.f32 $1.500000000e+00, v60;
	v63 =	vmul.f32 v23, v2;
	v40 =	vsub.f32 $1.500000000e+00, v61  }
0x287: {  	[tilespmem:s13+$0x10] =	vst v50;
	v38 =	vmul.f32 v36, v59;
	v48 =	vsub.f32 $1.500000000e+00, v62;
	v1 =	vsub.f32 $1.500000000e+00, v1  }
0x288: {  	s19 =	simm.s32 $0x8;
	[tilespmem:s17+$0x20] =	vst v25;
	v49 =	vmul.f32 v0, v39;
	v25 =	vmul.f32 v42, v40  }
0x289: {  	s20 =	simm.s32 $0x77C0;
	s17 =	simm.s32 $0x11040;
	[tilespmem:s18+$0x20] =	vst v63;
	s18 =	simm.s32 $0xDD40;
	v50 =	vmul.f32 v52, v48;
	v37 =	vsub.f32 $1.500000000e+00, v38;
	v48 =	vmul.f32 v53, v1  }
.LBB2_10:
0x28a: {  	v0 =	vld [tilespmem:s20+$0x30]  }
0x28b: {  	s5 =	sadd.s32 $0x80, s5;
	v51 =	vmul.f32 v36, v37;
	v36 =	vld [tilespmem:s20+$0xFFFFFFD0]  }
0x28c: {  	v62 =	vmul.f32 v46, v34;
	v52 =	vld [tilespmem:s5+$0x30]  }
0x28d: {  	v1 =	vmul.f32 v47, v33;
	v38 =	vmul.f32 v49, v41;
	v42 =	vld [tilespmem:s5+$0xFFFFFFC0]  }
0x28e: {  	v39 =	vmul.f32 v25, v35;
	v40 =	vld [tilespmem:s5+$0xFFFFFFD0];
	v56 =	vmul.f32 v62, v46  }
0x28f: {  	v53 =	vmul.f32 v50, v43;
	v37 =	vld [tilespmem:s20+$0xFFFFFFE0];
	v1 =	vmul.f32 v1, v47  }
0x290: {  	v54 =	vmul.f32 v48, v44;
	v57 =	vmul.f32 v38, v49;
	v38 =	vld [tilespmem:s5+$0xFFFFFFE0];
	v56 =	vsub.f32 $1.500000000e+00, v56  }
0x291: {  	v55 =	vmul.f32 v51, v45;
	v58 =	vmul.f32 v39, v25;
	v39 =	vld [tilespmem:s20+$0xFFFFFFF0];
	v1 =	vsub.f32 $1.500000000e+00, v1  }
0x292: {  	v53 =	vmul.f32 v53, v50;
	v56 =	vmul.f32 v56, v46;
	v46 =	vld [tilespmem:s5+$0xFFFFFFF0]  }
0x293: {  	v54 =	vmul.f32 v54, v48;
	v1 =	vmul.f32 v1, v47;
	v47 =	vld [tilespmem:s20+$0x0]  }
0x294: {  	v57 =	vsub.f32 $1.500000000e+00, v57;
	v63 =	vsub.f32 $1.500000000e+00, v58;
	v59 =	vld.idx.msk [tilespmem:v0+s0+$0x0], $0xffff  }
0x295: {  	v55 =	vmul.f32 v55, v51;
	v53 =	vsub.f32 $1.500000000e+00, v53;
	v2 =	vsub.f32 $1.500000000e+00, v54;
	v58 =	vld.idx.msk [tilespmem:v0+s23+$0x0], $0xffff  }
0x296: {  	v57 =	vmul.f32 v57, v49;
	v60 =	vmul.f32 v63, v25;
	v0 =	vld.idx.msk [tilespmem:v0+s24+$0x0], $0xffff  }
0x297: {  	v54 =	vsub.f32 $1.500000000e+00, v55;
	v50 =	vmul.f32 v53, v50;
	v53 =	vmul.f32 v2, v48;
	v55 =	vld.idx.msk [tilespmem:v52+s0+$0x0], $0xffff  }
0x298: {  	v33 =	vmul.f32 v1, v33;
	v34 =	vmul.f32 v56, v34;
	v25 =	vld.idx.msk [tilespmem:v52+s23+$0x0], $0xffff  }
0x299: {  	v51 =	vmul.f32 v54, v51;
	v48 =	vld.idx.msk [tilespmem:v52+s24+$0x0], $0xffff;
	v41 =	vmul.f32 v57, v41  }
0x29a: {  	v49 =	vmul.f32 v60, v35;
	v2 =	vmul.f32 v50, v43;
	v43 =	vld [tilespmem:s5+$0x0]  }
0x29b: {  	v54 =	vmul.f32 v53, v44;
	v44 =	vld [tilespmem:s20+$0x20];
	v33 =	vmul.f32 v33, v1  }
0x29c: {  	v63 =	vld.idx.msk [tilespmem:v42+s0+$0x0], $0xffff;
	v62 =	vmul.f32 v34, v56;
	v52 =	vmul.f32 v2, v50  }
0x29d: {  	v61 =	vmul.f32 v51, v45;
	v45 =	vld [tilespmem:s20+$0x10];
	v54 =	vmul.f32 v54, v53  }
0x29e: {  	v52 =	vsub.f32 $1.500000000e+00, v52;
	v35 =	vsub.f32 v55, v59;
	v55 =	vmul.f32 v41, v57;
	v41 =	vld [tilespmem:s5+$0x10]  }
0x29f: {  	v49 =	vmul.f32 v49, v60;
	v25 =	vsub.f32 v25, v58;
	v58 =	vsub.f32 $1.500000000e+00, v33;
	v33 =	vld [tilespmem:s5+$0x20]  }
0x2a0: {  	v54 =	vsub.f32 $1.500000000e+00, v54;
	v34 =	vsub.f32 v48, v0;
	v48 =	vld [tilespmem:s20+$0xFFFFFFC0];
	v50 =	vmul.f32 v52, v50  }
0x2a1: {  	v52 =	vld.idx.msk [tilespmem:v40+s0+$0x0], $0xffff;
	v0 =	vmul.f32 v35, v35;
	v2 =	vmul.f32 v25, v25  }
0x2a2: {  	v53 =	vmul.f32 v54, v53;
	v54 =	vld.idx.msk [tilespmem:v40+s23+$0x0], $0xffff;
	v59 =	vmul.f32 v34, v34;
	v55 =	vsub.f32 $1.500000000e+00, v55  }
0x2a3: {  	v1 =	vmul.f32 v58, v1;
	v29 =	vmul.f32 v50, v29;
	v50 =	vld.idx.msk [tilespmem:v37+s23+$0x0], $0xffff;
	v0 =	vadd.f32 v2, v0  }
0x2a4: {  	v62 =	vsub.f32 $1.500000000e+00, v62;
	v61 =	vmul.f32 v61, v51;
	v58 =	vsub.f32 $1.500000000e+00, v49;
	v2 =	vld.idx.msk [tilespmem:v42+s23+$0x0], $0xffff  }
0x2a5: {  	v55 =	vmul.f32 v55, v57;
	v1 =	vmul.f32 v1, v26;
	v26 =	vld.idx.msk [tilespmem:v37+s0+$0x0], $0xffff;
	v49 =	vadd.f32 v59, v0  }
0x2a6: {  	v57 =	vmul.f32 v58, v60;
	v58 =	vsub.f32 $1.500000000e+00, v61;
	v0 =	vmul.f32 v62, v56;
	v56 =	vld.idx.msk [tilespmem:v36+s0+$0x0], $0xffff  }
0x2a7: {  	v59 =	vld.idx.msk [tilespmem:v36+s23+$0x0], $0xffff;
	v60 =	vshra.s32 v49, $0x1;
	v61 =	vmul.f32 $5.000000000e-01, v49  }
0x2a8: {  	v51 =	vmul.f32 v58, v51;
	v36 =	vld.idx.msk [tilespmem:v36+s24+$0x0], $0xffff;
	v0 =	vmul.f32 v0, v27;
	v60 =	vsub.s32 $0x5F3759DF, v60  }
0x2a9: {  	v27 =	vmul.f32 v55, v28;
	v28 =	vld.idx.msk [tilespmem:v48+s0+$0x0], $0xffff;
	v62 =	vmul.f32 v60, v61  }
0x2aa: {  	v1 =	vadd.f32 $9.999999930e-09, v1;
	v30 =	vmul.f32 v57, v30;
	v57 =	vld.idx.msk [tilespmem:v48+s23+$0x0], $0xffff  }
0x2ab: {  	v32 =	vmul.f32 v51, v32;
	v51 =	vsub.f32 v52, v56;
	v52 =	vld.idx.msk [tilespmem:v38+s0+$0x0], $0xffff;
	v62 =	vmul.f32 v60, v62  }
0x2ac: {  	(erf) = vrcp.f32 v1;
	v1 =	vsub.f32 v54, v59;
	v54 =	vld.idx.msk [tilespmem:v38+s23+$0x0], $0xffff  }
0x2ad: {  	v0 =	vadd.f32 $9.999999930e-09, v0;
	v56 =	vld.idx.msk [tilespmem:v39+s0+$0x0], $0xffff;
	v58 =	vsub.f32 $1.500000000e+00, v62  }
0x2ae: {  	v31 =	vmul.f32 v53, v31;
	v27 =	vadd.f32 $9.999999930e-09, v27;
	v62 =	vld [tilespmem:$0x1FEA0]  }
0x2af: {  	(erf) = vrcp.f32 v0;
	v2 =	vsub.f32 v2, v57;
	v57 =	vld.idx.msk [tilespmem:v46+s0+$0x0], $0xffff;
	v53 =	vmul.f32 v60, v58  }
0x2b0: {  	v29 =	vadd.f32 $9.999999930e-09, v29;
	v59 =	vld.idx.msk [tilespmem:v39+s23+$0x0], $0xffff;
	v55 =	vmul.f32 v51, v51;
	(erf) = vrcp.f32 v27  }
0x2b1: {  	v3 =	vmovc v24;
	v30 =	vadd.f32 $9.999999930e-09, v30;
	v27 =	vld.idx.msk [tilespmem:v47+s23+$0x0], $0xffff;
	v58 =	vmul.f32 v1, v1;
	v60 =	vmul.f32 v53, v61  }
0x2b2: {  	v28 =	vsub.f32 v63, v28;
	[tilespmem:$0x1FEA0] =	vst v3;
	v3 =	vld [tilespmem:$0x1FEC0];
	v26 =	vsub.f32 v52, v26  }
0x2b3: {  	v52 =	vld.idx.msk [tilespmem:v47+s0+$0x0], $0xffff;
	v24 =	vadd.f32 v58, v55;
	v0 =	vmul.f32 v23, v62;
	v58 =	vmul.f32 v60, v53  }
0x2b4: {  	v55 =	vld.idx.msk [tilespmem:v46+s23+$0x0], $0xffff;
	v56 =	vsub.f32 v57, v56;
	v23 =	vmul.f32 v28, v28;
	v60 =	vmul.f32 v2, v2  }
0x2b5: {  	(erf) = vrcp.f32 v30;
	v57 =	vld.idx.msk [tilespmem:v45+s0+$0x0], $0xffff;
	[tilespmem:s13+$0x20] =	vst v0;
	v0 =	vsub.f32 v54, v50;
	v63 =	vsub.f32 $1.500000000e+00, v58  }
0x2b6: {  	(erf) = vrcp.f32 v29;
	v54 =	vld.idx.msk [tilespmem:v43+s0+$0x0], $0xffff;
	v30 =	vadd.f32 v60, v23;
	v23 =	vmul.f32 v26, v26  }
0x2b7: {  	v31 =	vadd.f32 $9.999999930e-09, v31;
	v58 =	vld.idx.msk [tilespmem:v43+s23+$0x0], $0xffff;
	v29 =	vmul.f32 v0, v0;
	v50 =	vmul.f32 v63, v53;
	v53 =	vpop (erf)  }
0x2b8: {  	v63 =	vld.idx.msk [tilespmem:v33+s0+$0x0], $0xffff;
	v60 =	vmul.f32 v53, v3;
	v3 =	vmov v28  }
0x2b9: {  	v32 =	vadd.f32 $9.999999930e-09, v32;
	(erf) = vrcp.f32 v31;
	v28 =	vadd.f32 v29, v23;
	[tilespmem:$0x1FEC0] =	vst v3;
	v3 =	vld [tilespmem:$0x1FEB0]  }
0x2ba: {  	v29 =	vsub.f32 v55, v59;
	v23 =	vld.idx.msk [tilespmem:v45+s23+$0x0], $0xffff;
	v55 =	vmul.f32 v56, v56;
	v31 =	vmul.f32 v50, v61  }
0x2bb: {  	v59 =	vld.idx.msk [tilespmem:v41+s0+$0x0], $0xffff;
	(erf) = vrcp.f32 v32;
	v62 =	vpop (erf);
	v9 =	vmul.f32 v53, v9  }
0x2bc: {  	v22 =	vmul.f32 v53, v22;
	v61 =	vpop (erf);
	[tilespmem:s15+$0xFFFFFFC0] =	vst v60;
	v60 =	vld.idx.msk [tilespmem:v41+s23+$0x0], $0xffff;
	v6 =	vmul.f32 v31, v50  }
0x2bd: {  	v32 =	vmul.f32 v29, v29;
	v53 =	vsub.f32 v58, v27;
	v27 =	vld.idx.msk [tilespmem:v44+s23+$0x0], $0xffff;
	v7 =	vmul.f32 v61, v7  }
0x2be: {  	v31 =	vsub.f32 v54, v52;
	v52 =	vld.idx.msk [tilespmem:v44+s0+$0x0], $0xffff;
	[tilespmem:s16+$0xFFFFFFC0] =	vst v9;
	v54 =	vsub.f32 $1.500000000e+00, v6;
	v58 =	vmul.f32 v62, v3  }
0x2bf: {  	v9 =	vmov v51;
	v48 =	vld.idx.msk [tilespmem:v48+s24+$0x0], $0xffff;
	v3 =	vmul.f32 v62, v5;
	v5 =	vmul.f32 v53, v53  }
0x2c0: {  	[tilespmem:$0x1FEB0] =	vst v9;
	v9 =	vmul.f32 v62, v21;
	v21 =	vld [tilespmem:$0x1FED0];
	v50 =	vmul.f32 v54, v50  }
0x2c1: {  	v4 =	vpop (erf);
	v32 =	vadd.f32 v32, v55;
	v55 =	vmul.f32 v31, v31;
	v6 =	vld.idx.msk [tilespmem:v33+s23+$0x0], $0xffff;
	v51 =	vsub.f32 v59, v57  }
0x2c2: {  	v12 =	vmul.f32 v4, v12;
	v42 =	vld.idx.msk [tilespmem:v42+s24+$0x0], $0xffff;
	v57 =	vsub.f32 v60, v23;
	v60 =	vmul.f32 v50, v49  }
0x2c3: {  	v55 =	vadd.f32 v5, v55;
	v50 =	vmul.f32 v51, v51;
	v5 =	vmov v1;
	v1 =	vld.idx.msk [tilespmem:v40+s24+$0x0], $0xffff  }
0x2c4: {  	[tilespmem:s14+$0xFFFFFFC0] =	vst v22;
	v22 =	vmul.f32 v57, v57;
	v62 =	vadd.f32 $9.999999930e-09, v60;
	v60 =	vmul.f32 v61, v20;
	v20 =	vld.idx.msk [tilespmem:v37+s24+$0x0], $0xffff  }
0x2c5: {  	v54 =	vpop (erf);
	v21 =	vmul.f32 v61, v21;
	[tilespmem:s15+$0xFFFFFFD0] =	vst v58;
	v61 =	vmul.f32 v4, v8;
	v8 =	vld.idx.msk [tilespmem:v38+s24+$0x0], $0xffff  }
0x2c6: {  	v6 =	vsub.f32 v6, v27;
	v40 =	vmul.f32 v54, v11;
	v11 =	vmov v26;
	[tilespmem:s16+$0xFFFFFFD0] =	vst v3;
	v3 =	vld.idx.msk [tilespmem:v39+s24+$0x0], $0xffff  }
0x2c7: {  	v37 =	vsub.f32 v63, v52;
	v38 =	vadd.f32 v22, v50;
	v39 =	vmul.f32 v54, v10;
	v10 =	vld.idx.msk [tilespmem:v47+s24+$0x0], $0xffff  }
0x2c8: {  	v49 =	vpop (erf);
	v4 =	vmul.f32 v4, v18;
	v22 =	vsub.f32 v42, v48;
	v42 =	vmul.f32 v54, v19;
	v63 =	vld.idx.msk [tilespmem:v43+s24+$0x0], $0xffff  }
0x2c9: {  	v23 =	vpop (erf);
	[tilespmem:$0x1FED0] =	vst v11;
	v43 =	vld.idx.msk [tilespmem:v45+s24+$0x0], $0xffff;
	v45 =	vmul.f32 v49, v13;
	v47 =	vmul.f32 v49, v17  }
0x2ca: {  	v13 =	vld.idx.msk [tilespmem:v44+s24+$0x0], $0xffff;
	v18 =	vmul.f32 v6, v6;
	[tilespmem:s15+$0xFFFFFFE0] =	vst v21;
	v58 =	vmul.f32 v23, v15  }
0x2cb: {  	(erf) = vrcp.f32 v62;
	v62 =	vld.idx.msk [tilespmem:v46+s24+$0x0], $0xffff;
	v11 =	vmul.f32 v22, v22;
	[tilespmem:s16+$0xFFFFFFE0] =	vst v7  }
0x2cc: {  	v27 =	vmul.f32 v37, v37;
	[tilespmem:s14+$0xFFFFFFE0] =	vst v60;
	v60 =	vld.idx.msk [tilespmem:v33+s24+$0x0], $0xffff;
	v21 =	vsub.f32 v1, v36  }
0x2cd: {  	v46 =	vmul.f32 v49, v16;
	v26 =	vadd.f32 v11, v30;
	v11 =	vld.idx.msk [tilespmem:v41+s24+$0x0], $0xffff;
	v20 =	vsub.f32 v8, v20  }
0x2ce: {  	[tilespmem:s15+$0xFFFFFFF0] =	vst v61;
	v61 =	vmul.f32 v23, v14;
	v19 =	vsub.f32 v63, v10;
	v54 =	vmul.f32 v21, v21  }
0x2cf: {  	[tilespmem:s16+$0xFFFFFFF0] =	vst v12;
	v36 =	vadd.f32 v18, v27;
	v33 =	vmul.f32 $5.000000000e-01, v26;
	v59 =	vmul.f32 v20, v20  }
0x2d0: {  	[tilespmem:s14+$0xFFFFFFF0] =	vst v4;
	v18 =	vsub.f32 v62, v3;
	v3 =	vshra.s32 v26, $0x1;
	v4 =	vmul.f32 v19, v19  }
0x2d1: {  	v27 =	vadd.f32 v54, v24;
	v24 =	vsub.f32 v60, v13;
	v3 =	vsub.s32 $0x5F3759DF, v3  }
0x2d2: {  	v14 =	vmul.f32 v18, v18;
	v28 =	vadd.f32 v59, v28;
	v17 =	vsub.f32 v11, v43  }
0x2d3: {  	v12 =	vmovc v29;
	v8 =	vmovc v56;
	v29 =	vadd.f32 v4, v55;
	v56 =	vmul.f32 v3, v33;
	v63 =	vshra.s32 v27, $0x1  }
0x2d4: {  	v54 =	vmul.f32 v24, v24;
	v15 =	vpop (erf);
	v30 =	vadd.f32 v14, v32;
	v50 =	vmul.f32 v17, v17  }
0x2d5: {  	v11 =	vmovc v53;
	v53 =	vshra.s32 v29, $0x1;
	v62 =	vmul.f32 v15, v35;
	v41 =	vmul.f32 v15, v25  }
0x2d6: {  	[tilespmem:s14+$0xFFFFFFD0] =	vst v9;
	v4 =	vsub.s32 $0x5F3759DF, v63;
	v43 =	vmul.f32 v15, v34;
	v34 =	vmul.f32 $5.000000000e-01, v27  }
0x2d7: {  	v9 =	vmovc v2;
	[tilespmem:s18+$0x20] =	vst v58;
	v25 =	vshra.s32 v28, $0x1;
	v32 =	vadd.f32 v54, v36;
	v2 =	vsub.s32 $0x5F3759DF, v53  }
0x2d8: {  	[tilespmem:s18+$0x10] =	vst v45;
	v15 =	vmovc v37;
	v37 =	vmul.f32 v3, v56;
	v52 =	vshra.s32 v30, $0x1;
	v35 =	vmul.f32 $5.000000000e-01, v30  }
0x2d9: {  	s15 =	sadd.s32 $0x80, s15;
	[tilespmem:s17+$0x20] =	vst v61;
	v10 =	vmovc v31;
	v31 =	vadd.f32 v50, v38;
	v55 =	vsub.s32 $0x5F3759DF, v25;
	v1 =	vsub.s32 $0x5F3759DF, v52  }
0x2da: {  	v16 =	vmovc v57;
	s16 =	sadd.s32 $0x80, s16;
	[tilespmem:s15+$0x30] =	vst v62;
	v25 =	vshra.s32 v32, $0x1;
	v45 =	vmul.f32 $5.000000000e-01, v32;
	v57 =	vmul.f32 v4, v34  }
0x2db: {  	s13 =	smov.u32 s14;
	s14 =	sadd.s32 $0x80, s14;
	v37 =	vsub.f32 $1.500000000e+00, v37;
	[tilespmem:s16+$0x30] =	vst v41;
	v41 =	vmul.f32 $5.000000000e-01, v28;
	v44 =	vmul.f32 $5.000000000e-01, v31  }
0x2dc: {  	v36 =	vsub.s32 $0x5F3759DF, v25;
	v58 =	vmul.f32 v1, v35;
	[tilespmem:s14+$0x30] =	vst v43;
	v43 =	vmul.f32 $5.000000000e-01, v29  }
0x2dd: {  	[tilespmem:s17+$0x10] =	vst v46;
	v14 =	vmovc v6;
	v6 =	vshra.s32 v31, $0x1;
	v61 =	vmul.f32 v36, v45;
	v38 =	vmul.f32 v4, v57  }
0x2de: {  	[tilespmem:s13+$0x10] =	vst v47;
	v6 =	vsub.s32 $0x5F3759DF, v6;
	v47 =	vmul.f32 v3, v37;
	v25 =	vmul.f32 v55, v41  }
0x2df: {  	s19 =	sadd.s32 $0x8, s19;
	[tilespmem:s18+$0x0] =	vst v39;
	v60 =	vmul.f32 v6, v44;
	v59 =	vmul.f32 v2, v43  }
0x2e0: {  	p4 =	slt.u32 s19, $0x320;
	[tilespmem:s17+$0x0] =	vst v40;
	v39 =	vmul.f32 v1, v58;
	v25 =	vmul.f32 v55, v25  }
.Ltmp8:
0x2e1: {  	[tilespmem:s13+$0x0] =	vst v42;
	v38 =	vsub.f32 $1.500000000e+00, v38;
	v42 =	vmul.f32 v6, v60;
	v40 =	vmul.f32 v2, v59;
	(pc) =	sbr.rel @p4 .LBB2_10-.Ltmp8, $4  }
0x2e2: {  	v62 =	vmul.f32 v36, v61;
	v3 =	vsub.f32 $1.500000000e+00, v25;
	v25 =	vsub.f32 $1.500000000e+00, v39  }
0x2e3: {  	v46 =	vmul.f32 v4, v38;
	v63 =	vsub.f32 $1.500000000e+00, v42;
	v4 =	vsub.f32 $1.500000000e+00, v40  }
0x2e4: {  	v49 =	vmul.f32 v55, v3;
	v25 =	vmul.f32 v1, v25  }
0x2e5: {  	s20 =	sadd.s32 $0x80, s20;
	v7 =	vmovc v0;
	s18 =	smov.u32 s15;
	s17 =	smov.u32 s16;
	v13 =	vmovc v51;
	v37 =	vsub.f32 $1.500000000e+00, v62;
	v48 =	vmul.f32 v6, v63;
	v50 =	vmul.f32 v2, v4  }
0x2e6: {  	v0 =	vmul.f32 v47, v33;
	_ =	sdelay $0x1  }
0x2e7: {  	v0 =	vmul.f32 v0, v47;
	_ =	sdelay $0x1  }
0x2e8: {  	v2 =	vmul.f32 v46, v34;
	v3 =	vmul.f32 v49, v41;
	v0 =	vsub.f32 $1.500000000e+00, v0  }
0x2e9: {  	v4 =	vmul.f32 v25, v35;
	v1 =	vmul.f32 v36, v37  }
0x2ea: {  	v6 =	vmul.f32 v50, v43;
	v0 =	vmul.f32 v0, v47  }
0x2eb: {  	v53 =	vmul.f32 v48, v44;
	v2 =	vmul.f32 v2, v46  }
0x2ec: {  	v3 =	vmul.f32 v3, v49;
	v54 =	vmul.f32 v0, v33  }
0x2ed: {  	v4 =	vmul.f32 v4, v25;
	v37 =	vmul.f32 v1, v45  }
0x2ee: {  	v6 =	vmul.f32 v6, v50;
	v2 =	vsub.f32 $1.500000000e+00, v2;
	v33 =	vmul.f32 v54, v0  }
0x2ef: {  	v36 =	vmul.f32 v53, v48;
	v3 =	vsub.f32 $1.500000000e+00, v3;
	v4 =	vsub.f32 $1.500000000e+00, v4  }
0x2f0: {  	v37 =	vmul.f32 v37, v1;
	v2 =	vmul.f32 v2, v46;
	v56 =	vsub.f32 $1.500000000e+00, v33  }
0x2f1: {  	v6 =	vsub.f32 $1.500000000e+00, v6;
	v3 =	vmul.f32 v3, v49;
	v4 =	vmul.f32 v4, v25  }
0x2f2: {  	v55 =	vmul.f32 v2, v34;
	v0 =	vmul.f32 v56, v0  }
0x2f3: {  	v36 =	vsub.f32 $1.500000000e+00, v36;
	v6 =	vmul.f32 v6, v50;
	v58 =	vmul.f32 v3, v41  }
0x2f4: {  	v34 =	vmul.f32 v55, v2;
	v0 =	vmul.f32 v0, v26  }
0x2f5: {  	v36 =	vmul.f32 v36, v48;
	v59 =	vmul.f32 v4, v35  }
0x2f6: {  	v61 =	vmul.f32 v58, v3;
	v60 =	vsub.f32 $1.500000000e+00, v34;
	v0 =	vadd.f32 $9.999999930e-09, v0  }
0x2f7: {  	v57 =	vsub.f32 $1.500000000e+00, v37;
	v62 =	vmul.f32 v6, v43;
	v25 =	vmul.f32 v59, v4  }
0x2f8: {  	v34 =	vsub.f32 $1.500000000e+00, v61;
	v2 =	vmul.f32 v60, v2;
	(erf) = vrcp.f32 v0  }
0x2f9: {  	v1 =	vmul.f32 v57, v1;
	v26 =	vmul.f32 v62, v6  }
0x2fa: {  	v25 =	vsub.f32 $1.500000000e+00, v25;
	v3 =	vmul.f32 v34, v3;
	v2 =	vmul.f32 v2, v27  }
0x2fb: {  	v63 =	vmul.f32 v36, v44;
	v37 =	vmul.f32 v1, v45;
	v39 =	vsub.f32 $1.500000000e+00, v26  }
0x2fc: {  	v42 =	vld [tilespmem:$0x1FEA0];
	v4 =	vmul.f32 v25, v4;
	v3 =	vmul.f32 v3, v28;
	v2 =	vadd.f32 $9.999999930e-09, v2  }
0x2fd: {  	v38 =	vmul.f32 v63, v36;
	v45 =	vld [tilespmem:$0x1FEC0];
	v6 =	vmul.f32 v39, v6  }
0x2fe: {  	v4 =	vmul.f32 v4, v30;
	v3 =	vadd.f32 $9.999999930e-09, v3;
	(erf) = vrcp.f32 v2  }
0x2ff: {  	v2 =	vsub.f32 $1.500000000e+00, v38;
	v41 =	vmul.f32 v6, v29  }
0x300: {  	v40 =	vadd.f32 $9.999999930e-09, v4;
	v0 =	vmul.f32 v37, v1;
	(erf) = vrcp.f32 v3  }
0x301: {  	v6 =	vmul.f32 v23, v42;
	v2 =	vmul.f32 v2, v36;
	v44 =	vadd.f32 $9.999999930e-09, v41;
	v43 =	vpop (erf)  }
0x302: {  	v0 =	vsub.f32 $1.500000000e+00, v0;
	(erf) = vrcp.f32 v40;
	v4 =	vmul.f32 v43, v45  }
0x303: {  	[tilespmem:s13+$0x20] =	vst v6;
	v2 =	vmul.f32 v2, v31;
	(erf) = vrcp.f32 v44  }
0x304: {  	v0 =	vmul.f32 v0, v1;
	[tilespmem:s15+$0xFFFFFFC0] =	vst v4  }
0x305: {  	v2 =	vadd.f32 $9.999999930e-09, v2;
	v4 =	vld [tilespmem:$0x1FEB0]  }
0x306: {  	v0 =	vmul.f32 v0, v32  }
0x307: {  	v47 =	vpop (erf);
	(erf) = vrcp.f32 v2  }
0x308: {  	v0 =	vadd.f32 $9.999999930e-09, v0;
	v46 =	vmul.f32 v43, v9  }
0x309: {  	v3 =	vmul.f32 v43, v22  }
0x30a: {  	v48 =	vpop (erf);
	(erf) = vrcp.f32 v0;
	[tilespmem:s16+$0xFFFFFFC0] =	vst v46;
	v4 =	vmul.f32 v47, v4  }
0x30b: {  	v5 =	vmul.f32 v47, v5;
	v50 =	vpop (erf);
	[tilespmem:s14+$0xFFFFFFC0] =	vst v3  }
0x30c: {  	v52 =	vmul.f32 v50, v8;
	v54 =	vpop (erf);
	[tilespmem:s15+$0xFFFFFFD0] =	vst v4  }
0x30d: {  	v55 =	vmul.f32 v54, v10;
	v3 =	vld [tilespmem:$0x1FED0];
	[tilespmem:s16+$0xFFFFFFD0] =	vst v5  }
0x30e: {  	v1 =	vmul.f32 v47, v21;
	[tilespmem:s15+$0xFFFFFFF0] =	vst v52  }
0x30f: {  	v53 =	vmul.f32 v50, v12;
	[tilespmem:s18+$0x0] =	vst v55  }
0x310: {  	v56 =	vmul.f32 v54, v11;
	v57 =	vpop (erf);
	[tilespmem:s14+$0xFFFFFFD0] =	vst v1  }
0x311: {  	v58 =	vmul.f32 v57, v13;
	[tilespmem:s16+$0xFFFFFFF0] =	vst v53  }
0x312: {  	v0 =	vmul.f32 v50, v18;
	[tilespmem:s17+$0x0] =	vst v56  }
0x313: {  	v59 =	vmul.f32 v57, v16;
	v60 =	vpop (erf);
	[tilespmem:s18+$0x10] =	vst v58  }
0x314: {  	v61 =	vmul.f32 v60, v15;
	[tilespmem:s14+$0xFFFFFFF0] =	vst v0  }
0x315: {  	v1 =	vmul.f32 v54, v19;
	[tilespmem:s17+$0x10] =	vst v59  }
0x316: {  	v62 =	vmul.f32 v60, v14;
	[tilespmem:s18+$0x20] =	vst v61  }
0x317: {  	v0 =	vmul.f32 v57, v17;
	[tilespmem:s14+$0x0] =	vst v1  }
0x318: {  	v63 =	vmul.f32 v60, v24;
	[tilespmem:s17+$0x20] =	vst v62  }
0x319: {  	[tilespmem:s14+$0x10] =	vst v0;
	v3 =	vmul.f32 v48, v3  }
0x31a: {  	v49 =	vmul.f32 v48, v7;
	[tilespmem:s14+$0x20] =	vst v63  }
0x31b: {  	v51 =	vmul.f32 v48, v20;
	[tilespmem:s15+$0xFFFFFFE0] =	vst v3  }
0x31c: {  	[tilespmem:s16+$0xFFFFFFE0] =	vst v49  }
0x31d: {  	[tilespmem:s14+$0xFFFFFFE0] =	vst v51  }
.LBB2_12:
0x31e: {  	s5 =	sshra.s32 s0, $0x2  }
0x31f: {  	v0 =	vld [tilespmem:s5+$0xA900];
	_ =	sdelay $0x1  }
0x320: {  	v1 =	vld [tilespmem:s5+$0xDC00];
	_ =	sdelay $0x5  }
0x321: {  	v2 =	vld.idx.msk [tilespmem:v0+s2+$0x0], $0xffff  }
0x322: {  	v3 =	vld.idx.msk [tilespmem:v0+s23+$0x0], $0xffff  }
0x323: {  	v4 =	vld.idx.msk [tilespmem:v1+s2+$0x0], $0xffff  }
0x324: {  	v5 =	vld.idx.msk [tilespmem:v1+s23+$0x0], $0xffff  }
0x325: {  	v0 =	vld.idx.msk [tilespmem:v0+s24+$0x0], $0xffff  }
0x326: {  	v1 =	vld.idx.msk [tilespmem:v1+s24+$0x0], $0xffff;
	_ =	sdelay $0x2  }
0x327: {  	v2 =	vsub.f32 v4, v2;
	v3 =	vsub.f32 v5, v3;
	_ =	sdelay $0x1  }
0x328: {  	v0 =	vsub.f32 v1, v0;
	v60 =	vmul.f32 v2, v2;
	v61 =	vmul.f32 v3, v3;
	_ =	sdelay $0x1  }
0x329: {  	v62 =	vmul.f32 v0, v0;
	v1 =	vadd.f32 v61, v60;
	_ =	sdelay $0x1  }
0x32a: {  	v1 =	vadd.f32 v62, v1;
	_ =	sdelay $0x1  }
0x32b: {  	v4 =	vshra.s32 v1, $0x1;
	v63 =	vmul.f32 $5.000000000e-01, v1  }
0x32c: {  	v4 =	vsub.s32 $0x5F3759DF, v4  }
0x32d: {  	v6 =	vmul.f32 v4, v63;
	_ =	sdelay $0x1  }
0x32e: {  	v6 =	vmul.f32 v4, v6;
	_ =	sdelay $0x1  }
0x32f: {  	v6 =	vsub.f32 $1.500000000e+00, v6;
	_ =	sdelay $0x1  }
0x330: {  	v4 =	vmul.f32 v4, v6;
	_ =	sdelay $0x1  }
0x331: {  	v6 =	vmul.f32 v4, v63;
	_ =	sdelay $0x1  }
0x332: {  	v6 =	vmul.f32 v6, v4;
	_ =	sdelay $0x1  }
0x333: {  	v6 =	vsub.f32 $1.500000000e+00, v6;
	_ =	sdelay $0x1  }
0x334: {  	v4 =	vmul.f32 v6, v4;
	_ =	sdelay $0x1  }
0x335: {  	v5 =	vmul.f32 v4, v63;
	_ =	sdelay $0x1  }
0x336: {  	v5 =	vmul.f32 v5, v4;
	_ =	sdelay $0x1  }
0x337: {  	v5 =	vsub.f32 $1.500000000e+00, v5;
	_ =	sdelay $0x1  }
0x338: {  	v4 =	vmul.f32 v5, v4;
	_ =	sdelay $0x1  }
0x339: {  	v1 =	vmul.f32 v4, v1;
	_ =	sdelay $0x1  }
0x33a: {  	v1 =	vadd.f32 $9.999999930e-09, v1;
	_ =	sdelay $0x1  }
0x33b: {  	(erf) = vrcp.f32 v1;
	_ =	sdelay $0x8  }
0x33c: {  	p4 =	sne.s32 s0, $0x40;
	v1 =	vpop (erf)  }
.Ltmp9:
0x33d: {  	v2 =	vmul.f32 v1, v2;
	(pc) =	sbr.rel @p4 .LBB2_12-.Ltmp9, $4  }
0x33e: {  	v3 =	vmul.f32 v1, v3  }
0x33f: {  	v0 =	vmul.f32 v1, v0;
	[tilespmem:s5+$0x10F00] =	vst v2  }
0x340: {  	[tilespmem:s5+$0x14200] =	vst v3  }
0x341: {  	s0 =	sadd.s32 $0x40, s0;
	[tilespmem:s5+$0x17500] =	vst v0  }
0x342: {  	s0 =	rddreg [dreg:$0x5];
	s20 =	simm.s32 $0xDC80  }
0x343: {  	[hbm4b:s0+s2] =	stream.linear.scatter [tilespmem:s20], [sflag:$0x1], $0x32A0, $0x38;
	[tilespmem:$0x1D078] =	vst v63  }
0x344: {  	s17 =	rddreg [dreg:$0x6];
	s5 =	simm.s32 $0x10F80  }
0x345: {  	[hbm4b:s17+s2] =	stream.linear.scatter [tilespmem:s5], [sflag:$0x1], $0x32A0, $0x38;
	[tilespmem:$0x1D078] =	vst v63  }
0x346: {  	s18 =	rddreg [dreg:$0x7];
	s19 =	simm.s32 $0x14280  }
0x347: {  	[hbm4b:s18+s2] =	stream.linear.scatter [tilespmem:s19], [sflag:$0x1], $0x32A0, $0x38;
	[tilespmem:$0x1D078] =	vst v63  }
0x348: {  	_ =	swait.ge [sflag:s30], $0x32A0  }
0x349: {  	[sflag:s30] =	ssyncset.done $0x0  }
0x34a: {  	[sflag:s30] =	ssyncadd.s32 $0xFFFFCD60  }
0x34b: {  	_ =	swait.ge [sflag:s30], $0x32A0  }
0x34c: {  	[sflag:s30] =	ssyncset.done $0x0  }
0x34d: {  	[sflag:s30] =	ssyncadd.s32 $0xFFFFCD60  }
.Ltmp10:
0x34e: {  	_ =	swait.ge [sflag:s30], $0x32A0;
	(pc) =	sbr.rel .LBB2_14-.Ltmp10, $4  }
0x34f: {  	[sflag:s30] =	ssyncset.done $0x0  }
0x350: {  	[sflag:s30] =	ssyncadd.s32 $0xFFFFCD60  }
0x351: {  	[bflag:$0x0] =	sbarrier.arrive $0xFFFF  }
0x352: {  	v0 =	vimm.f32 $0.0e+00  }
.LBB2_15:
0x353: {  	_ =	sfence.sel $0x180000  }
0x354: {  	[bflag:$0x0] =	sbarrier.arrive $0xFFFF  }
0x355: {  	_ =	strace $0x90000047  }
0x356: {  	s0 =	stileid.u32;
	[bflag:$0x2] =	sbarrier.arrive $0xFFFF  }
0x357: {  	p0 =	sne.s32 s0, $0x0;
	s0 =	rddreg [dreg:$0x4]  }
0x358: {  	s0 =	sadd.s32 @!p0 $0x100000, s0  }
0x359: {  	[sflag:s0] =	ssyncadd.tile.s32 @!p0 $0x1;
	_ =	shalt  }
.Lfunc_end2:
_tile_overlayer_lowered:
.L_overlay_start_2:
0x35a: {  	(tag) =	ssettag $0x2  }
0x35b: {  	s0 =	rddreg [dreg:$0x0];
	s2 =	stileid.u32  }
0x35c: {  	s1 =	rddreg [dreg:$0x1];
	p0 =	sne.s32 s2, $0x0  }
0x35d: {  	s3 =	rddreg [dreg:$0x2];
	[bflag:$0x3] =	sbarrier.arrive $0xFFFF;
	s2 =	simm.s32 @!p0 $0x1C03  }
0x35e: {  	[timem:s3], [sflag:s2] =	dma.local @!p0 [hbm:s0], s1  }
0x35f: {  	s0 =	simm.s32 @!p0 $0x3  }
0x360: {  	_ =	swait.ge @!p0 [sflag:s0], s1  }
0x361: {  	s1 =	ssub.s32 @!p0 $0x0, s1;
	[sflag:s0] =	ssyncset.done @!p0 $0x0  }
0x362: {  	[sflag:s0] =	ssyncadd.s32 @!p0 s1  }
0x363: {  	[bflag:$0x3] =	sbarrier.arrive $0xFFFF  }
0x364: {  	_ =	shalt  }

</sc_bundles>
